<compile_context>
chip_gen: v7x
topology: tpu7x:2x2x1
jax: 0.10.2.dev20260603
libtpu: 0.0.44.dev20260713+nightly
codegen_flags: <defaults>
</compile_context>

<pallas_src>
import functools

import jax
import jax.numpy as jnp
from jax import lax
from jax.experimental import pallas as pl
from jax.experimental.pallas import tpu as pltpu
from jax.experimental.pallas import tpu_sc as plsc

N_NODES = 10000
N_EDGES = 320000
C_IN = 128

NUM_CORES = 2
NUM_SUBCORES = 16
NW = NUM_CORES * NUM_SUBCORES
LANES = 16

T_SMALL = 78
CH_SMALL = T_SMALL * 128
CH_BIG = CH_SMALL + 128

_mesh = plsc.VectorSubcoreMesh(core_axis_name="c", subcore_axis_name="s")
_sc_params = pltpu.CompilerParams(needs_layout_passes=False)


def _worker_id():
    return lax.axis_index("s") * NUM_CORES + lax.axis_index("c")


def _edge_base(wid):
    return (wid * T_SMALL + jnp.minimum(wid, 4)) * 128


def _start_edge_copy(ei_hbm, e_v, sem, wid):
    base = _edge_base(wid)
    is_big = wid < 4

    @pl.when(is_big)
    def _():
        pltpu.async_copy(ei_hbm.at[:, pl.ds(base, CH_BIG)], e_v, sem)

    @pl.when(jnp.logical_not(is_big))
    def _():
        pltpu.async_copy(
            ei_hbm.at[:, pl.ds(base, CH_SMALL)],
            e_v.at[:, pl.ds(0, CH_SMALL)],
            sem,
        )


def _wait_edge_copy(ei_hbm, e_v, sem, wid):
    base = _edge_base(wid)
    is_big = wid < 4

    @pl.when(is_big)
    def _():
        pltpu.make_async_copy(
            ei_hbm.at[:, pl.ds(base, CH_BIG)], e_v, sem
        ).wait()

    @pl.when(jnp.logical_not(is_big))
    def _():
        pltpu.make_async_copy(
            ei_hbm.at[:, pl.ds(base, CH_SMALL)],
            e_v.at[:, pl.ds(0, CH_SMALL)],
            sem,
        ).wait()


def _zero_vmem(ref, n):
    zeros = jnp.zeros((LANES,), jnp.float32)

    @plsc.parallel_loop(0, n // LANES, unroll=4)
    def _(i):
        ref[pl.ds(i * LANES, LANES)] = zeros


@functools.partial(
    pl.kernel,
    out_type=jax.ShapeDtypeStruct((NW, N_NODES), jnp.float32),
    mesh=_mesh,
    compiler_params=_sc_params,
    scratch_types=[
        pltpu.VMEM((2, CH_BIG), jnp.int32),
        pltpu.VMEM((N_NODES,), jnp.float32),
        pltpu.SemaphoreType.DMA,
    ],
)
def _deg_kernel(ei_hbm, out_hbm, e_v, acc_v, sem):
    wid = _worker_id()
    _start_edge_copy(ei_hbm, e_v, sem, wid)
    _zero_vmem(acc_v, N_NODES)
    _wait_edge_copy(ei_hbm, e_v, sem, wid)
    ones = jnp.ones((LANES,), jnp.float32)

    @plsc.parallel_loop(0, CH_SMALL // LANES, unroll=4)
    def _(i):
        idx = e_v[1, pl.ds(i * LANES, LANES)]
        plsc.addupdate_scatter(acc_v, [idx], ones)

    @pl.when(wid < 4)
    def _():
        @plsc.parallel_loop(CH_SMALL // LANES, CH_BIG // LANES, unroll=4)
        def _(i):
            idx = e_v[1, pl.ds(i * LANES, LANES)]
            plsc.addupdate_scatter(acc_v, [idx], ones)

    pltpu.sync_copy(acc_v, out_hbm.at[wid])


@functools.partial(
    pl.kernel,
    out_type=jax.ShapeDtypeStruct((NW, N_NODES), jnp.float32),
    mesh=_mesh,
    compiler_params=_sc_params,
    scratch_types=[
        pltpu.VMEM((2, CH_BIG), jnp.int32),
        pltpu.VMEM((N_NODES,), jnp.float32),
        pltpu.VMEM((N_NODES,), jnp.float32),
        pltpu.SemaphoreType.DMA,
        pltpu.SemaphoreType.DMA,
    ],
)
def _msg_kernel(ei_hbm, g_hbm, out_hbm, e_v, g_v, acc_v, sem_e, sem_g):
    wid = _worker_id()
    cpg = pltpu.async_copy(
        g_hbm.at[pl.ds(lax.rem(wid, 4) * N_NODES, N_NODES)], g_v, sem_g
    )
    _start_edge_copy(ei_hbm, e_v, sem_e, wid)
    _zero_vmem(acc_v, N_NODES)
    cpg.wait()
    _wait_edge_copy(ei_hbm, e_v, sem_e, wid)

    @plsc.parallel_loop(0, CH_SMALL // LANES, unroll=4)
    def _(i):
        isrc = e_v[0, pl.ds(i * LANES, LANES)]
        idst = e_v[1, pl.ds(i * LANES, LANES)]
        vals = plsc.load_gather(g_v, [isrc])
        plsc.addupdate_scatter(acc_v, [idst], vals)

    @pl.when(wid < 4)
    def _():
        @plsc.parallel_loop(CH_SMALL // LANES, CH_BIG // LANES, unroll=4)
        def _(i):
            isrc = e_v[0, pl.ds(i * LANES, LANES)]
            idst = e_v[1, pl.ds(i * LANES, LANES)]
            vals = plsc.load_gather(g_v, [isrc])
            plsc.addupdate_scatter(acc_v, [idst], vals)

    pltpu.sync_copy(acc_v, out_hbm.at[wid])


def _h_body(x_ref, w_ref, h_ref):
    z = lax.dot_general(
        w_ref[...], x_ref[...], (((1,), (1,)), ((), ())),
        preferred_element_type=jnp.float32,
    )
    h_ref[...] = z[0]


def _mid_body(degp_ref, h_ref, g_ref, dis_ref):
    deg = jnp.sum(degp_ref[...], axis=0) + 1.0
    dis = lax.rsqrt(deg)
    dis_ref[...] = dis
    g = h_ref[...] * dis
    for r in range(4):
        g_ref[pl.ds(r * N_NODES, N_NODES)] = g


def _fin_body(msgp_ref, g_ref, dis_ref, b_ref, out_ref):
    p = jnp.sum(msgp_ref[...], axis=0)
    z = dis_ref[...] * (p + g_ref[pl.ds(0, N_NODES)]) + b_ref[...]
    out_ref[...] = jax.nn.sigmoid(z)


def kernel(x, edge_index, W, b):
    ei = edge_index.astype(jnp.int32)
    w2d = W.reshape((1, C_IN)).astype(jnp.float32)

    degp = _deg_kernel(ei)

    h = pl.pallas_call(
        _h_body,
        out_shape=jax.ShapeDtypeStruct((N_NODES,), jnp.float32),
    )(x, w2d)

    g4, dis = pl.pallas_call(
        _mid_body,
        out_shape=(
            jax.ShapeDtypeStruct((4 * N_NODES,), jnp.float32),
            jax.ShapeDtypeStruct((N_NODES,), jnp.float32),
        ),
    )(degp, h)

    msgp = _msg_kernel(ei, g4)

    out = pl.pallas_call(
        _fin_body,
        out_shape=jax.ShapeDtypeStruct((N_NODES,), jnp.float32),
    )(msgp, g4, dis, b)

    return out[:, None]

# --- scband reference (transcript-rebuilt; emitter-appended) ---
"""Pipeline reference for scband-gcn-vi-simple-58248346468474 (READ-ONLY COPY).

The authoritative reference and input builder live on the scoring server;
editing this copy changes nothing except your own understanding.
"""

import jax, jax.numpy as jnp
import numpy as np

N_NODES = 10000
N_EDGES = 320000
C = 128
F_OUT = 1


def setup_inputs(seed: int = 0) -> dict:
    key = jax.random.key(seed)
    k1, k2, k3 = jax.random.split(key, 3)
    x = jax.random.normal(k1, (N_NODES, C), dtype=jnp.float32)
    edge_index = jax.random.randint(k2, (2, N_EDGES), 0, N_NODES, dtype=jnp.int64)
    # GCNConv(C, F_out) learned params: lin.weight [F_out, C] (glorot), bias [F_out] (zeros)
    W = jax.random.normal(k3, (F_OUT, C), dtype=jnp.float32) * (1.0 / np.sqrt(C))
    b = jnp.zeros((F_OUT,), dtype=jnp.float32)
    return {"x": x, "edge_index": edge_index, "W": W, "b": b}


def _gcn_conv(x, edge_index, W, b):
    # Faithful translation of torch_geometric GCNConv with default settings:
    # add self-loops, symmetric normalization D^{-1/2} (A+I) D^{-1/2}, linear transform, bias.
    num_nodes = x.shape[0]
    src = edge_index[0]
    dst = edge_index[1]
    loop = jnp.arange(num_nodes, dtype=src.dtype)
    src = jnp.concatenate([src, loop])
    dst = jnp.concatenate([dst, loop])
    ones = jnp.ones((src.shape[0],), dtype=x.dtype)
    deg = jnp.zeros((num_nodes,), dtype=x.dtype).at[dst].add(ones)
    deg_inv_sqrt = jnp.where(deg > 0, jax.lax.rsqrt(jnp.where(deg > 0, deg, 1.0)), 0.0)
    norm = deg_inv_sqrt[src] * deg_inv_sqrt[dst]
    h = x @ W.T  # lin (no bias inside lin)
    msg = h[src] * norm[:, None]  # gather + scale
    out = jnp.zeros((num_nodes, h.shape[1]), dtype=x.dtype).at[dst].add(msg)  # scatter-add
    out = out + b
    return out


def reference(x, edge_index, W, b):
    # GCN_VI_simple.forward with feature1=False, F_out == 1 -> sigmoid(conv1(x, edge_index))
    out = _gcn_conv(x, edge_index, W, b)
    return jax.nn.sigmoid(out)

if __name__ == "__main__":
    import jax
    _d = setup_inputs()
    print(jax.jit(kernel)(*tuple(_d.values())))

</pallas_src>

<mosaic_0001>
#map = affine_map<(d0, d1) -> (0, 0)>
module attributes {stable_mosaic.version = 14 : i64} {
  func.func @_deg_kernel(%arg0: i32, %arg1: i32, %arg2: memref<2x320000xi32, #tpu.memory_space<hbm>>, %arg3: memref<32x10000xf32, #tpu.memory_space<hbm>>, %arg4: memref<2x10112xi32, #tpu.memory_space<vmem>>, %arg5: memref<10000xf32, #tpu.memory_space<vmem>>, %arg6: memref<!tpu.dma_semaphore, #tpu.memory_space<semaphore_mem>>) attributes {dimension_semantics = [#tpu.dimension_semantics<core_parallel>, #tpu.dimension_semantics<subcore_parallel>], iteration_bounds = array<i64: 2, 16>, scalar_prefetch = 0 : i64, scratch_operands = 3 : i64, tpu.core_type = #tpu.core_type<sc_vector_subcore>, window_params = [{transform_indices = #map}, {transform_indices = #map}]} {
    %mul3A = arith.constant 2 : i32
    %mul3A_0 = arith.muli %arg1, %mul3A : i32
    %add3A = arith.addi %mul3A_0, %arg0 : i32
    %mul3A_1 = arith.constant 78 : i32
    %mul3A_2 = arith.muli %add3A, %mul3A_1 : i32
    %min3A = arith.constant 4 : i32
    %min3A_3 = arith.minsi %add3A, %min3A : i32
    %add3A_4 = arith.addi %mul3A_2, %min3A_3 : i32
    %mul3A_5 = arith.constant 128 : i32
    %mul3A_6 = arith.muli %add3A_4, %mul3A_5 : i32
    %lt3A = arith.constant 4 : i32
    %lt3A_7 = arith.cmpi slt, %add3A, %lt3A : i32
    %convert_element_type3A = arith.extui %lt3A_7 : i1 to i32
    %cond3A = arith.constant 0 : i32
    %cond3A_8 = arith.cmpi ne, %convert_element_type3A, %cond3A : i32
    scf.if %cond3A_8 {
      %dma_start3A = arith.constant 0 : i32
      %dma_start3A_43 = tpu.memref_slice %arg2[%dma_start3A, %mul3A_6] : memref<2x320000xi32, #tpu.memory_space<hbm>> -> memref<2x10112xi32, #tpu.memory_space<hbm>>
      %dma_start3A_44 = arith.constant 0 : i32
      %dma_start3A_45 = tpu.memref_slice %arg2[%dma_start3A_44, %mul3A_6] : memref<2x320000xi32, #tpu.memory_space<hbm>> -> memref<2x10112xi32, #tpu.memory_space<hbm>>
      tpu.enqueue_dma source(%dma_start3A_45 : memref<2x10112xi32, #tpu.memory_space<hbm>>) target(%arg4 : memref<2x10112xi32, #tpu.memory_space<vmem>>) target_semaphore(%arg6 : memref<!tpu.dma_semaphore, #tpu.memory_space<semaphore_mem>>)
    } else {
    }
    %not3A = arith.constant true
    %not3A_9 = arith.xori %lt3A_7, %not3A : i1
    %convert_element_type3A_10 = arith.extui %not3A_9 : i1 to i32
    %cond3A_11 = arith.constant 0 : i32
    %cond3A_12 = arith.cmpi ne, %convert_element_type3A_10, %cond3A_11 : i32
    scf.if %cond3A_12 {
      %dma_start3A = arith.constant 0 : i32
      %dma_start3A_43 = arith.constant 0 : i32
      %dma_start3A_44 = tpu.memref_slice %arg4[%dma_start3A, %dma_start3A_43] : memref<2x10112xi32, #tpu.memory_space<vmem>> -> memref<2x9984xi32, #tpu.memory_space<vmem>>
      %dma_start3A_45 = arith.constant 0 : i32
      %dma_start3A_46 = tpu.memref_slice %arg2[%dma_start3A_45, %mul3A_6] : memref<2x320000xi32, #tpu.memory_space<hbm>> -> memref<2x9984xi32, #tpu.memory_space<hbm>>
      %dma_start3A_47 = arith.constant 0 : i32
      %dma_start3A_48 = arith.constant 0 : i32
      %dma_start3A_49 = tpu.memref_slice %arg4[%dma_start3A_47, %dma_start3A_48] : memref<2x10112xi32, #tpu.memory_space<vmem>> -> memref<2x9984xi32, #tpu.memory_space<vmem>>
      %dma_start3A_50 = arith.constant 0 : i32
      %dma_start3A_51 = tpu.memref_slice %arg2[%dma_start3A_50, %mul3A_6] : memref<2x320000xi32, #tpu.memory_space<hbm>> -> memref<2x9984xi32, #tpu.memory_space<hbm>>
      tpu.enqueue_dma source(%dma_start3A_51 : memref<2x9984xi32, #tpu.memory_space<hbm>>) target(%dma_start3A_49 : memref<2x9984xi32, #tpu.memory_space<vmem>>) target_semaphore(%arg6 : memref<!tpu.dma_semaphore, #tpu.memory_space<semaphore_mem>>)
    } else {
    }
    %broadcast_in_dim3A = arith.constant 0.000000e+00 : f32
    %broadcast_in_dim3A_13 = vector.broadcast %broadcast_in_dim3A : f32 to vector<16xf32>
    %parallel_loop3A = arith.constant 0 : i32
    %parallel_loop3A_14 = arith.constant 625 : i32
    %parallel_loop3A_15 = arith.constant 1 : i32
    scf.for %parallel_loop3A_43 = %parallel_loop3A to %parallel_loop3A_14 step %parallel_loop3A_15  : i32 {
      %parallel_loop3A_44 = arith.constant 16 : i32
      %parallel_loop3A_45 = arith.muli %parallel_loop3A_43, %parallel_loop3A_44 : i32
      %parallel_loop3A_46 = arith.index_cast %parallel_loop3A_45 : i32 to index
      %parallel_loop3A_47 = tpu.vector_load %arg5[%parallel_loop3A_46] {strides = array<i32>} : memref<10000xf32, #tpu.memory_space<vmem>>, vector<16xf32>,
      tpu.vector_store %arg5[%parallel_loop3A_46], %broadcast_in_dim3A_13 {strides = array<i32>} : memref<10000xf32, #tpu.memory_space<vmem>>, vector<16xf32>,
    } {sc.loop_unroll_factor = 4 : i64, sc.parallel_access}
    %mul3A_16 = arith.constant 78 : i32
    %mul3A_17 = arith.muli %add3A, %mul3A_16 : i32
    %min3A_18 = arith.constant 4 : i32
    %min3A_19 = arith.minsi %add3A, %min3A_18 : i32
    %add3A_20 = arith.addi %mul3A_17, %min3A_19 : i32
    %mul3A_21 = arith.constant 128 : i32
    %mul3A_22 = arith.muli %add3A_20, %mul3A_21 : i32
    %lt3A_23 = arith.constant 4 : i32
    %lt3A_24 = arith.cmpi slt, %add3A, %lt3A_23 : i32
    %convert_element_type3A_25 = arith.extui %lt3A_24 : i1 to i32
    %cond3A_26 = arith.constant 0 : i32
    %cond3A_27 = arith.cmpi ne, %convert_element_type3A_25, %cond3A_26 : i32
    scf.if %cond3A_27 {
      %dma_wait3A = arith.constant 0 : i32
      %dma_wait3A_43 = tpu.memref_slice %arg2[%dma_wait3A, %mul3A_22] : memref<2x320000xi32, #tpu.memory_space<hbm>> -> memref<2x10112xi32, #tpu.memory_space<hbm>>
      %dma_wait3A_44 = arith.constant 0 : i32
      %dma_wait3A_45 = tpu.memref_slice %arg2[%dma_wait3A_44, %mul3A_22] : memref<2x320000xi32, #tpu.memory_space<hbm>> -> memref<2x10112xi32, #tpu.memory_space<hbm>>
      tpu.wait_dma2 semaphore(%arg6 : memref<!tpu.dma_semaphore, #tpu.memory_space<semaphore_mem>>) src(%dma_wait3A_45 : memref<2x10112xi32, #tpu.memory_space<hbm>>) dst(%arg4 : memref<2x10112xi32, #tpu.memory_space<vmem>>)
    } else {
    }
    %not3A_28 = arith.constant true
    %not3A_29 = arith.xori %lt3A_24, %not3A_28 : i1
    %convert_element_type3A_30 = arith.extui %not3A_29 : i1 to i32
    %cond3A_31 = arith.constant 0 : i32
    %cond3A_32 = arith.cmpi ne, %convert_element_type3A_30, %cond3A_31 : i32
    scf.if %cond3A_32 {
      %dma_wait3A = arith.constant 0 : i32
      %dma_wait3A_43 = arith.constant 0 : i32
      %dma_wait3A_44 = tpu.memref_slice %arg4[%dma_wait3A, %dma_wait3A_43] : memref<2x10112xi32, #tpu.memory_space<vmem>> -> memref<2x9984xi32, #tpu.memory_space<vmem>>
      %dma_wait3A_45 = arith.constant 0 : i32
      %dma_wait3A_46 = tpu.memref_slice %arg2[%dma_wait3A_45, %mul3A_22] : memref<2x320000xi32, #tpu.memory_space<hbm>> -> memref<2x9984xi32, #tpu.memory_space<hbm>>
      %dma_wait3A_47 = arith.constant 0 : i32
      %dma_wait3A_48 = arith.constant 0 : i32
      %dma_wait3A_49 = tpu.memref_slice %arg4[%dma_wait3A_47, %dma_wait3A_48] : memref<2x10112xi32, #tpu.memory_space<vmem>> -> memref<2x9984xi32, #tpu.memory_space<vmem>>
      %dma_wait3A_50 = arith.constant 0 : i32
      %dma_wait3A_51 = tpu.memref_slice %arg2[%dma_wait3A_50, %mul3A_22] : memref<2x320000xi32, #tpu.memory_space<hbm>> -> memref<2x9984xi32, #tpu.memory_space<hbm>>
      tpu.wait_dma2 semaphore(%arg6 : memref<!tpu.dma_semaphore, #tpu.memory_space<semaphore_mem>>) src(%dma_wait3A_51 : memref<2x9984xi32, #tpu.memory_space<hbm>>) dst(%dma_wait3A_49 : memref<2x9984xi32, #tpu.memory_space<vmem>>)
    } else {
    }
    %broadcast_in_dim3A_33 = arith.constant 1.000000e+00 : f32
    %broadcast_in_dim3A_34 = vector.broadcast %broadcast_in_dim3A_33 : f32 to vector<16xf32>
    %parallel_loop3A_35 = arith.constant 0 : i32
    %parallel_loop3A_36 = arith.constant 624 : i32
    %parallel_loop3A_37 = arith.constant 1 : i32
    scf.for %parallel_loop3A_43 = %parallel_loop3A_35 to %parallel_loop3A_36 step %parallel_loop3A_37  : i32 {
      %parallel_loop3A_44 = arith.constant 16 : i32
      %parallel_loop3A_45 = arith.muli %parallel_loop3A_43, %parallel_loop3A_44 : i32
      %parallel_loop3A_46 = arith.constant 1 : i32
      %parallel_loop3A_47 = arith.index_cast %parallel_loop3A_46 : i32 to index
      %parallel_loop3A_48 = arith.index_cast %parallel_loop3A_45 : i32 to index
      %parallel_loop3A_49 = tpu.vector_load %arg4[%parallel_loop3A_47, %parallel_loop3A_48] {strides = array<i32>} : memref<2x10112xi32, #tpu.memory_space<vmem>>, vector<16xi32>,
      tpu.vector_store_idx %arg5[%parallel_loop3A_49], %broadcast_in_dim3A_34 {add = true} : memref<10000xf32, #tpu.memory_space<vmem>>[vector<16xi32>], vector<16xf32>,
    } {sc.loop_unroll_factor = 4 : i64, sc.parallel_access}
    %lt3A_38 = arith.constant 4 : i32
    %lt3A_39 = arith.cmpi slt, %add3A, %lt3A_38 : i32
    %convert_element_type3A_40 = arith.extui %lt3A_39 : i1 to i32
    %cond3A_41 = arith.constant 0 : i32
    %cond3A_42 = arith.cmpi ne, %convert_element_type3A_40, %cond3A_41 : i32
    scf.if %cond3A_42 {
      %parallel_loop3A_43 = arith.constant 624 : i32
      %parallel_loop3A_44 = arith.constant 632 : i32
      %parallel_loop3A_45 = arith.constant 1 : i32
      scf.for %parallel_loop3A_46 = %parallel_loop3A_43 to %parallel_loop3A_44 step %parallel_loop3A_45  : i32 {
        %parallel_loop3A_47 = arith.constant 16 : i32
        %parallel_loop3A_48 = arith.muli %parallel_loop3A_46, %parallel_loop3A_47 : i32
        %parallel_loop3A_49 = arith.constant 1 : i32
        %parallel_loop3A_50 = arith.index_cast %parallel_loop3A_49 : i32 to index
        %parallel_loop3A_51 = arith.index_cast %parallel_loop3A_48 : i32 to index
        %parallel_loop3A_52 = tpu.vector_load %arg4[%parallel_loop3A_50, %parallel_loop3A_51] {strides = array<i32>} : memref<2x10112xi32, #tpu.memory_space<vmem>>, vector<16xi32>,
        tpu.vector_store_idx %arg5[%parallel_loop3A_52], %broadcast_in_dim3A_34 {add = true} : memref<10000xf32, #tpu.memory_space<vmem>>[vector<16xi32>], vector<16xf32>,
      } {sc.loop_unroll_factor = 4 : i64, sc.parallel_access}
    } else {
    }
    "tpu.region"() ({
      %run_scoped3A = tpu.sem_alloc : memref<!tpu.dma_semaphore, #tpu.memory_space<semaphore_mem>>
      %dma_start3A = arith.constant 0 : i32
      %dma_start3A_43 = tpu.memref_slice %arg3[%add3A, %dma_start3A] : memref<32x10000xf32, #tpu.memory_space<hbm>> -> memref<1x10000xf32, #tpu.memory_space<hbm>>
      %dma_start3A_44 = tpu.memref_squeeze %dma_start3A_43 : memref<1x10000xf32, #tpu.memory_space<hbm>> -> memref<10000xf32, #tpu.memory_space<hbm>>
      %dma_start3A_45 = arith.constant 0 : i32
      %dma_start3A_46 = tpu.memref_slice %arg3[%add3A, %dma_start3A_45] : memref<32x10000xf32, #tpu.memory_space<hbm>> -> memref<1x10000xf32, #tpu.memory_space<hbm>>
      %dma_start3A_47 = tpu.memref_squeeze %dma_start3A_46 : memref<1x10000xf32, #tpu.memory_space<hbm>> -> memref<10000xf32, #tpu.memory_space<hbm>>
      tpu.enqueue_dma source(%arg5 : memref<10000xf32, #tpu.memory_space<vmem>>) target(%dma_start3A_47 : memref<10000xf32, #tpu.memory_space<hbm>>) target_semaphore(%run_scoped3A : memref<!tpu.dma_semaphore, #tpu.memory_space<semaphore_mem>>)
      %dma_wait3A = arith.constant 0 : i32
      %dma_wait3A_48 = tpu.memref_slice %arg3[%add3A, %dma_wait3A] : memref<32x10000xf32, #tpu.memory_space<hbm>> -> memref<1x10000xf32, #tpu.memory_space<hbm>>
      %dma_wait3A_49 = tpu.memref_squeeze %dma_wait3A_48 : memref<1x10000xf32, #tpu.memory_space<hbm>> -> memref<10000xf32, #tpu.memory_space<hbm>>
      %dma_wait3A_50 = arith.constant 0 : i32
      %dma_wait3A_51 = tpu.memref_slice %arg3[%add3A, %dma_wait3A_50] : memref<32x10000xf32, #tpu.memory_space<hbm>> -> memref<1x10000xf32, #tpu.memory_space<hbm>>
      %dma_wait3A_52 = tpu.memref_squeeze %dma_wait3A_51 : memref<1x10000xf32, #tpu.memory_space<hbm>> -> memref<10000xf32, #tpu.memory_space<hbm>>
      tpu.wait_dma2 semaphore(%run_scoped3A : memref<!tpu.dma_semaphore, #tpu.memory_space<semaphore_mem>>) src(%arg5 : memref<10000xf32, #tpu.memory_space<vmem>>) dst(%dma_wait3A_52 : memref<10000xf32, #tpu.memory_space<hbm>>)
      tpu.yield
    }) : () -> ()
    return
  }
}

#map = affine_map<(d0, d1) -> (0, 0)>
#map1 = affine_map<(d0, d1) -> (0)>
module attributes {stable_mosaic.version = 14 : i64} {
  func.func @_msg_kernel(%arg0: i32, %arg1: i32, %arg2: memref<2x320000xi32, #tpu.memory_space<hbm>>, %arg3: memref<40000xf32, #tpu.memory_space<hbm>>, %arg4: memref<32x10000xf32, #tpu.memory_space<hbm>>, %arg5: memref<2x10112xi32, #tpu.memory_space<vmem>>, %arg6: memref<10000xf32, #tpu.memory_space<vmem>>, %arg7: memref<10000xf32, #tpu.memory_space<vmem>>, %arg8: memref<!tpu.dma_semaphore, #tpu.memory_space<semaphore_mem>>, %arg9: memref<!tpu.dma_semaphore, #tpu.memory_space<semaphore_mem>>) attributes {dimension_semantics = [#tpu.dimension_semantics<core_parallel>, #tpu.dimension_semantics<subcore_parallel>], iteration_bounds = array<i64: 2, 16>, scalar_prefetch = 0 : i64, scratch_operands = 5 : i64, tpu.core_type = #tpu.core_type<sc_vector_subcore>, window_params = [{transform_indices = #map}, {transform_indices = #map1}, {transform_indices = #map}]} {
    %mul3A = arith.constant 2 : i32
    %mul3A_0 = arith.muli %arg1, %mul3A : i32
    %add3A = arith.addi %mul3A_0, %arg0 : i32
    %rem3A = arith.constant 4 : i32
    %rem3A_1 = arith.remsi %add3A, %rem3A : i32
    %mul3A_2 = arith.constant 10000 : i32
    %mul3A_3 = arith.muli %rem3A_1, %mul3A_2 : i32
    %dma_start3A = tpu.memref_slice %arg3[%mul3A_3] : memref<40000xf32, #tpu.memory_space<hbm>> -> memref<10000xf32, #tpu.memory_space<hbm>>
    %dma_start3A_4 = tpu.memref_slice %arg3[%mul3A_3] : memref<40000xf32, #tpu.memory_space<hbm>> -> memref<10000xf32, #tpu.memory_space<hbm>>
    tpu.enqueue_dma source(%dma_start3A_4 : memref<10000xf32, #tpu.memory_space<hbm>>) target(%arg6 : memref<10000xf32, #tpu.memory_space<vmem>>) target_semaphore(%arg9 : memref<!tpu.dma_semaphore, #tpu.memory_space<semaphore_mem>>)
    %mul3A_5 = arith.constant 78 : i32
    %mul3A_6 = arith.muli %add3A, %mul3A_5 : i32
    %min3A = arith.constant 4 : i32
    %min3A_7 = arith.minsi %add3A, %min3A : i32
    %add3A_8 = arith.addi %mul3A_6, %min3A_7 : i32
    %mul3A_9 = arith.constant 128 : i32
    %mul3A_10 = arith.muli %add3A_8, %mul3A_9 : i32
    %lt3A = arith.constant 4 : i32
    %lt3A_11 = arith.cmpi slt, %add3A, %lt3A : i32
    %convert_element_type3A = arith.extui %lt3A_11 : i1 to i32
    %cond3A = arith.constant 0 : i32
    %cond3A_12 = arith.cmpi ne, %convert_element_type3A, %cond3A : i32
    scf.if %cond3A_12 {
      %dma_start3A_46 = arith.constant 0 : i32
      %dma_start3A_47 = tpu.memref_slice %arg2[%dma_start3A_46, %mul3A_10] : memref<2x320000xi32, #tpu.memory_space<hbm>> -> memref<2x10112xi32, #tpu.memory_space<hbm>>
      %dma_start3A_48 = arith.constant 0 : i32
      %dma_start3A_49 = tpu.memref_slice %arg2[%dma_start3A_48, %mul3A_10] : memref<2x320000xi32, #tpu.memory_space<hbm>> -> memref<2x10112xi32, #tpu.memory_space<hbm>>
      tpu.enqueue_dma source(%dma_start3A_49 : memref<2x10112xi32, #tpu.memory_space<hbm>>) target(%arg5 : memref<2x10112xi32, #tpu.memory_space<vmem>>) target_semaphore(%arg8 : memref<!tpu.dma_semaphore, #tpu.memory_space<semaphore_mem>>)
    } else {
    }
    %not3A = arith.constant true
    %not3A_13 = arith.xori %lt3A_11, %not3A : i1
    %convert_element_type3A_14 = arith.extui %not3A_13 : i1 to i32
    %cond3A_15 = arith.constant 0 : i32
    %cond3A_16 = arith.cmpi ne, %convert_element_type3A_14, %cond3A_15 : i32
    scf.if %cond3A_16 {
      %dma_start3A_46 = arith.constant 0 : i32
      %dma_start3A_47 = arith.constant 0 : i32
      %dma_start3A_48 = tpu.memref_slice %arg5[%dma_start3A_46, %dma_start3A_47] : memref<2x10112xi32, #tpu.memory_space<vmem>> -> memref<2x9984xi32, #tpu.memory_space<vmem>>
      %dma_start3A_49 = arith.constant 0 : i32
      %dma_start3A_50 = tpu.memref_slice %arg2[%dma_start3A_49, %mul3A_10] : memref<2x320000xi32, #tpu.memory_space<hbm>> -> memref<2x9984xi32, #tpu.memory_space<hbm>>
      %dma_start3A_51 = arith.constant 0 : i32
      %dma_start3A_52 = arith.constant 0 : i32
      %dma_start3A_53 = tpu.memref_slice %arg5[%dma_start3A_51, %dma_start3A_52] : memref<2x10112xi32, #tpu.memory_space<vmem>> -> memref<2x9984xi32, #tpu.memory_space<vmem>>
      %dma_start3A_54 = arith.constant 0 : i32
      %dma_start3A_55 = tpu.memref_slice %arg2[%dma_start3A_54, %mul3A_10] : memref<2x320000xi32, #tpu.memory_space<hbm>> -> memref<2x9984xi32, #tpu.memory_space<hbm>>
      tpu.enqueue_dma source(%dma_start3A_55 : memref<2x9984xi32, #tpu.memory_space<hbm>>) target(%dma_start3A_53 : memref<2x9984xi32, #tpu.memory_space<vmem>>) target_semaphore(%arg8 : memref<!tpu.dma_semaphore, #tpu.memory_space<semaphore_mem>>)
    } else {
    }
    %broadcast_in_dim3A = arith.constant 0.000000e+00 : f32
    %broadcast_in_dim3A_17 = vector.broadcast %broadcast_in_dim3A : f32 to vector<16xf32>
    %parallel_loop3A = arith.constant 0 : i32
    %parallel_loop3A_18 = arith.constant 625 : i32
    %parallel_loop3A_19 = arith.constant 1 : i32
    scf.for %parallel_loop3A_46 = %parallel_loop3A to %parallel_loop3A_18 step %parallel_loop3A_19  : i32 {
      %parallel_loop3A_47 = arith.constant 16 : i32
      %parallel_loop3A_48 = arith.muli %parallel_loop3A_46, %parallel_loop3A_47 : i32
      %parallel_loop3A_49 = arith.index_cast %parallel_loop3A_48 : i32 to index
      %parallel_loop3A_50 = tpu.vector_load %arg7[%parallel_loop3A_49] {strides = array<i32>} : memref<10000xf32, #tpu.memory_space<vmem>>, vector<16xf32>,
      tpu.vector_store %arg7[%parallel_loop3A_49], %broadcast_in_dim3A_17 {strides = array<i32>} : memref<10000xf32, #tpu.memory_space<vmem>>, vector<16xf32>,
    } {sc.loop_unroll_factor = 4 : i64, sc.parallel_access}
    %dma_wait3A = tpu.memref_slice %arg3[%mul3A_3] : memref<40000xf32, #tpu.memory_space<hbm>> -> memref<10000xf32, #tpu.memory_space<hbm>>
    %dma_wait3A_20 = tpu.memref_slice %arg3[%mul3A_3] : memref<40000xf32, #tpu.memory_space<hbm>> -> memref<10000xf32, #tpu.memory_space<hbm>>
    tpu.wait_dma2 semaphore(%arg9 : memref<!tpu.dma_semaphore, #tpu.memory_space<semaphore_mem>>) src(%dma_wait3A_20 : memref<10000xf32, #tpu.memory_space<hbm>>) dst(%arg6 : memref<10000xf32, #tpu.memory_space<vmem>>)
    %mul3A_21 = arith.constant 78 : i32
    %mul3A_22 = arith.muli %add3A, %mul3A_21 : i32
    %min3A_23 = arith.constant 4 : i32
    %min3A_24 = arith.minsi %add3A, %min3A_23 : i32
    %add3A_25 = arith.addi %mul3A_22, %min3A_24 : i32
    %mul3A_26 = arith.constant 128 : i32
    %mul3A_27 = arith.muli %add3A_25, %mul3A_26 : i32
    %lt3A_28 = arith.constant 4 : i32
    %lt3A_29 = arith.cmpi slt, %add3A, %lt3A_28 : i32
    %convert_element_type3A_30 = arith.extui %lt3A_29 : i1 to i32
    %cond3A_31 = arith.constant 0 : i32
    %cond3A_32 = arith.cmpi ne, %convert_element_type3A_30, %cond3A_31 : i32
    scf.if %cond3A_32 {
      %dma_wait3A_46 = arith.constant 0 : i32
      %dma_wait3A_47 = tpu.memref_slice %arg2[%dma_wait3A_46, %mul3A_27] : memref<2x320000xi32, #tpu.memory_space<hbm>> -> memref<2x10112xi32, #tpu.memory_space<hbm>>
      %dma_wait3A_48 = arith.constant 0 : i32
      %dma_wait3A_49 = tpu.memref_slice %arg2[%dma_wait3A_48, %mul3A_27] : memref<2x320000xi32, #tpu.memory_space<hbm>> -> memref<2x10112xi32, #tpu.memory_space<hbm>>
      tpu.wait_dma2 semaphore(%arg8 : memref<!tpu.dma_semaphore, #tpu.memory_space<semaphore_mem>>) src(%dma_wait3A_49 : memref<2x10112xi32, #tpu.memory_space<hbm>>) dst(%arg5 : memref<2x10112xi32, #tpu.memory_space<vmem>>)
    } else {
    }
    %not3A_33 = arith.constant true
    %not3A_34 = arith.xori %lt3A_29, %not3A_33 : i1
    %convert_element_type3A_35 = arith.extui %not3A_34 : i1 to i32
    %cond3A_36 = arith.constant 0 : i32
    %cond3A_37 = arith.cmpi ne, %convert_element_type3A_35, %cond3A_36 : i32
    scf.if %cond3A_37 {
      %dma_wait3A_46 = arith.constant 0 : i32
      %dma_wait3A_47 = arith.constant 0 : i32
      %dma_wait3A_48 = tpu.memref_slice %arg5[%dma_wait3A_46, %dma_wait3A_47] : memref<2x10112xi32, #tpu.memory_space<vmem>> -> memref<2x9984xi32, #tpu.memory_space<vmem>>
      %dma_wait3A_49 = arith.constant 0 : i32
      %dma_wait3A_50 = tpu.memref_slice %arg2[%dma_wait3A_49, %mul3A_27] : memref<2x320000xi32, #tpu.memory_space<hbm>> -> memref<2x9984xi32, #tpu.memory_space<hbm>>
      %dma_wait3A_51 = arith.constant 0 : i32
      %dma_wait3A_52 = arith.constant 0 : i32
      %dma_wait3A_53 = tpu.memref_slice %arg5[%dma_wait3A_51, %dma_wait3A_52] : memref<2x10112xi32, #tpu.memory_space<vmem>> -> memref<2x9984xi32, #tpu.memory_space<vmem>>
      %dma_wait3A_54 = arith.constant 0 : i32
      %dma_wait3A_55 = tpu.memref_slice %arg2[%dma_wait3A_54, %mul3A_27] : memref<2x320000xi32, #tpu.memory_space<hbm>> -> memref<2x9984xi32, #tpu.memory_space<hbm>>
      tpu.wait_dma2 semaphore(%arg8 : memref<!tpu.dma_semaphore, #tpu.memory_space<semaphore_mem>>) src(%dma_wait3A_55 : memref<2x9984xi32, #tpu.memory_space<hbm>>) dst(%dma_wait3A_53 : memref<2x9984xi32, #tpu.memory_space<vmem>>)
    } else {
    }
    %parallel_loop3A_38 = arith.constant 0 : i32
    %parallel_loop3A_39 = arith.constant 624 : i32
    %parallel_loop3A_40 = arith.constant 1 : i32
    scf.for %parallel_loop3A_46 = %parallel_loop3A_38 to %parallel_loop3A_39 step %parallel_loop3A_40  : i32 {
      %parallel_loop3A_47 = arith.constant 16 : i32
      %parallel_loop3A_48 = arith.muli %parallel_loop3A_46, %parallel_loop3A_47 : i32
      %parallel_loop3A_49 = arith.constant 0 : i32
      %parallel_loop3A_50 = arith.index_cast %parallel_loop3A_49 : i32 to index
      %parallel_loop3A_51 = arith.index_cast %parallel_loop3A_48 : i32 to index
      %parallel_loop3A_52 = tpu.vector_load %arg5[%parallel_loop3A_50, %parallel_loop3A_51] {strides = array<i32>} : memref<2x10112xi32, #tpu.memory_space<vmem>>, vector<16xi32>,
      %parallel_loop3A_53 = arith.constant 16 : i32
      %parallel_loop3A_54 = arith.muli %parallel_loop3A_46, %parallel_loop3A_53 : i32
      %parallel_loop3A_55 = arith.constant 1 : i32
      %parallel_loop3A_56 = arith.index_cast %parallel_loop3A_55 : i32 to index
      %parallel_loop3A_57 = arith.index_cast %parallel_loop3A_54 : i32 to index
      %parallel_loop3A_58 = tpu.vector_load %arg5[%parallel_loop3A_56, %parallel_loop3A_57] {strides = array<i32>} : memref<2x10112xi32, #tpu.memory_space<vmem>>, vector<16xi32>,
      %parallel_loop3A_59 = tpu.vector_load_idx %arg6[%parallel_loop3A_52] : memref<10000xf32, #tpu.memory_space<vmem>>[vector<16xi32>], vector<16xf32>,
      tpu.vector_store_idx %arg7[%parallel_loop3A_58], %parallel_loop3A_59 {add = true} : memref<10000xf32, #tpu.memory_space<vmem>>[vector<16xi32>], vector<16xf32>,
    } {sc.loop_unroll_factor = 4 : i64, sc.parallel_access}
    %lt3A_41 = arith.constant 4 : i32
    %lt3A_42 = arith.cmpi slt, %add3A, %lt3A_41 : i32
    %convert_element_type3A_43 = arith.extui %lt3A_42 : i1 to i32
    %cond3A_44 = arith.constant 0 : i32
    %cond3A_45 = arith.cmpi ne, %convert_element_type3A_43, %cond3A_44 : i32
    scf.if %cond3A_45 {
      %parallel_loop3A_46 = arith.constant 624 : i32
      %parallel_loop3A_47 = arith.constant 632 : i32
      %parallel_loop3A_48 = arith.constant 1 : i32
      scf.for %parallel_loop3A_49 = %parallel_loop3A_46 to %parallel_loop3A_47 step %parallel_loop3A_48  : i32 {
        %parallel_loop3A_50 = arith.constant 16 : i32
        %parallel_loop3A_51 = arith.muli %parallel_loop3A_49, %parallel_loop3A_50 : i32
        %parallel_loop3A_52 = arith.constant 0 : i32
        %parallel_loop3A_53 = arith.index_cast %parallel_loop3A_52 : i32 to index
        %parallel_loop3A_54 = arith.index_cast %parallel_loop3A_51 : i32 to index
        %parallel_loop3A_55 = tpu.vector_load %arg5[%parallel_loop3A_53, %parallel_loop3A_54] {strides = array<i32>} : memref<2x10112xi32, #tpu.memory_space<vmem>>, vector<16xi32>,
        %parallel_loop3A_56 = arith.constant 16 : i32
        %parallel_loop3A_57 = arith.muli %parallel_loop3A_49, %parallel_loop3A_56 : i32
        %parallel_loop3A_58 = arith.constant 1 : i32
        %parallel_loop3A_59 = arith.index_cast %parallel_loop3A_58 : i32 to index
        %parallel_loop3A_60 = arith.index_cast %parallel_loop3A_57 : i32 to index
        %parallel_loop3A_61 = tpu.vector_load %arg5[%parallel_loop3A_59, %parallel_loop3A_60] {strides = array<i32>} : memref<2x10112xi32, #tpu.memory_space<vmem>>, vector<16xi32>,
        %parallel_loop3A_62 = tpu.vector_load_idx %arg6[%parallel_loop3A_55] : memref<10000xf32, #tpu.memory_space<vmem>>[vector<16xi32>], vector<16xf32>,
        tpu.vector_store_idx %arg7[%parallel_loop3A_61], %parallel_loop3A_62 {add = true} : memref<10000xf32, #tpu.memory_space<vmem>>[vector<16xi32>], vector<16xf32>,
      } {sc.loop_unroll_factor = 4 : i64, sc.parallel_access}
    } else {
    }
    "tpu.region"() ({
      %run_scoped3A = tpu.sem_alloc : memref<!tpu.dma_semaphore, #tpu.memory_space<semaphore_mem>>
      %dma_start3A_46 = arith.constant 0 : i32
      %dma_start3A_47 = tpu.memref_slice %arg4[%add3A, %dma_start3A_46] : memref<32x10000xf32, #tpu.memory_space<hbm>> -> memref<1x10000xf32, #tpu.memory_space<hbm>>
      %dma_start3A_48 = tpu.memref_squeeze %dma_start3A_47 : memref<1x10000xf32, #tpu.memory_space<hbm>> -> memref<10000xf32, #tpu.memory_space<hbm>>
      %dma_start3A_49 = arith.constant 0 : i32
      %dma_start3A_50 = tpu.memref_slice %arg4[%add3A, %dma_start3A_49] : memref<32x10000xf32, #tpu.memory_space<hbm>> -> memref<1x10000xf32, #tpu.memory_space<hbm>>
      %dma_start3A_51 = tpu.memref_squeeze %dma_start3A_50 : memref<1x10000xf32, #tpu.memory_space<hbm>> -> memref<10000xf32, #tpu.memory_space<hbm>>
      tpu.enqueue_dma source(%arg7 : memref<10000xf32, #tpu.memory_space<vmem>>) target(%dma_start3A_51 : memref<10000xf32, #tpu.memory_space<hbm>>) target_semaphore(%run_scoped3A : memref<!tpu.dma_semaphore, #tpu.memory_space<semaphore_mem>>)
      %dma_wait3A_52 = arith.constant 0 : i32
      %dma_wait3A_53 = tpu.memref_slice %arg4[%add3A, %dma_wait3A_52] : memref<32x10000xf32, #tpu.memory_space<hbm>> -> memref<1x10000xf32, #tpu.memory_space<hbm>>
      %dma_wait3A_54 = tpu.memref_squeeze %dma_wait3A_53 : memref<1x10000xf32, #tpu.memory_space<hbm>> -> memref<10000xf32, #tpu.memory_space<hbm>>
      %dma_wait3A_55 = arith.constant 0 : i32
      %dma_wait3A_56 = tpu.memref_slice %arg4[%add3A, %dma_wait3A_55] : memref<32x10000xf32, #tpu.memory_space<hbm>> -> memref<1x10000xf32, #tpu.memory_space<hbm>>
      %dma_wait3A_57 = tpu.memref_squeeze %dma_wait3A_56 : memref<1x10000xf32, #tpu.memory_space<hbm>> -> memref<10000xf32, #tpu.memory_space<hbm>>
      tpu.wait_dma2 semaphore(%run_scoped3A : memref<!tpu.dma_semaphore, #tpu.memory_space<semaphore_mem>>) src(%arg7 : memref<10000xf32, #tpu.memory_space<vmem>>) dst(%dma_wait3A_57 : memref<10000xf32, #tpu.memory_space<hbm>>)
      tpu.yield
    }) : () -> ()
    return
  }
}

module attributes {stable_mosaic.version = 14 : i64} {
  func.func @_mid_body(%arg0: memref<32x10000xf32, #tpu.memory_space<vmem>>, %arg1: memref<10000xf32, #tpu.memory_space<vmem>>, %arg2: memref<40000xf32, #tpu.memory_space<vmem>>, %arg3: memref<10000xf32, #tpu.memory_space<vmem>>) attributes {dimension_semantics = [], scalar_prefetch = 0 : i64, scratch_operands = 0 : i64, tpu.core_type = #tpu.core_type<tc>} {
    %get3A = arith.constant 0 : index
    %get3A_0 = arith.constant 0 : index
    %get3A_1 = vector.load %arg0[%get3A, %get3A_0] : memref<32x10000xf32, #tpu.memory_space<vmem>>, vector<32x10000xf32>
    %reduce_sum3A = arith.constant dense<0.000000e+00> : vector<10000xf32>
    %reduce_sum3A_2 = vector.multi_reduction <add>, %get3A_1, %reduce_sum3A [0] : vector<32x10000xf32> to vector<10000xf32>
    %add3A = arith.constant 1.000000e+00 : f32
    %add3A_3 = vector.broadcast %add3A : f32 to vector<10000xf32>
    %add3A_4 = arith.addf %reduce_sum3A_2, %add3A_3 : vector<10000xf32>
    %rsqrt3A = math.rsqrt %add3A_4 : vector<10000xf32>
    %swap3A = arith.constant 0 : index
    %swap3A_5 = vector.load %arg3[%swap3A] : memref<10000xf32, #tpu.memory_space<vmem>>, vector<10000xf32>
    tpu.vector_store %arg3[%swap3A], %rsqrt3A {strides = array<i32>} : memref<10000xf32, #tpu.memory_space<vmem>>, vector<10000xf32>,
    %get3A_6 = arith.constant 0 : index
    %get3A_7 = vector.load %arg1[%get3A_6] : memref<10000xf32, #tpu.memory_space<vmem>>, vector<10000xf32>
    %mul3A = arith.mulf %get3A_7, %rsqrt3A : vector<10000xf32>
    %swap3A_8 = arith.constant 0 : index
    %swap3A_9 = vector.load %arg2[%swap3A_8] : memref<40000xf32, #tpu.memory_space<vmem>>, vector<10000xf32>
    tpu.vector_store %arg2[%swap3A_8], %mul3A {strides = array<i32>} : memref<40000xf32, #tpu.memory_space<vmem>>, vector<10000xf32>,
    %swap3A_10 = arith.constant 10000 : index
    %swap3A_11 = vector.load %arg2[%swap3A_10] : memref<40000xf32, #tpu.memory_space<vmem>>, vector<10000xf32>
    tpu.vector_store %arg2[%swap3A_10], %mul3A {strides = array<i32>} : memref<40000xf32, #tpu.memory_space<vmem>>, vector<10000xf32>,
    %swap3A_12 = arith.constant 20000 : index
    %swap3A_13 = vector.load %arg2[%swap3A_12] : memref<40000xf32, #tpu.memory_space<vmem>>, vector<10000xf32>
    tpu.vector_store %arg2[%swap3A_12], %mul3A {strides = array<i32>} : memref<40000xf32, #tpu.memory_space<vmem>>, vector<10000xf32>,
    %swap3A_14 = arith.constant 30000 : index
    %swap3A_15 = vector.load %arg2[%swap3A_14] : memref<40000xf32, #tpu.memory_space<vmem>>, vector<10000xf32>
    tpu.vector_store %arg2[%swap3A_14], %mul3A {strides = array<i32>} : memref<40000xf32, #tpu.memory_space<vmem>>, vector<10000xf32>,
    return
  }
}

module attributes {stable_mosaic.version = 14 : i64} {
  func.func @_fin_body(%arg0: memref<32x10000xf32, #tpu.memory_space<vmem>>, %arg1: memref<40000xf32, #tpu.memory_space<vmem>>, %arg2: memref<10000xf32, #tpu.memory_space<vmem>>, %arg3: memref<1xf32, #tpu.memory_space<vmem>>, %arg4: memref<10000xf32, #tpu.memory_space<vmem>>) attributes {dimension_semantics = [], scalar_prefetch = 0 : i64, scratch_operands = 0 : i64, tpu.core_type = #tpu.core_type<tc>} {
    %get3A = arith.constant 0 : index
    %get3A_0 = arith.constant 0 : index
    %get3A_1 = vector.load %arg0[%get3A, %get3A_0] : memref<32x10000xf32, #tpu.memory_space<vmem>>, vector<32x10000xf32>
    %reduce_sum3A = arith.constant dense<0.000000e+00> : vector<10000xf32>
    %reduce_sum3A_2 = vector.multi_reduction <add>, %get3A_1, %reduce_sum3A [0] : vector<32x10000xf32> to vector<10000xf32>
    %get3A_3 = arith.constant 0 : index
    %get3A_4 = vector.load %arg2[%get3A_3] : memref<10000xf32, #tpu.memory_space<vmem>>, vector<10000xf32>
    %get3A_5 = arith.constant 0 : index
    %get3A_6 = vector.load %arg1[%get3A_5] : memref<40000xf32, #tpu.memory_space<vmem>>, vector<10000xf32>
    %add3A = arith.addf %reduce_sum3A_2, %get3A_6 : vector<10000xf32>
    %mul3A = arith.mulf %get3A_4, %add3A : vector<10000xf32>
    %get3A_7 = arith.constant 0 : index
    %get3A_8 = vector.load %arg3[%get3A_7] : memref<1xf32, #tpu.memory_space<vmem>>, vector<1xf32>
    %add3A_9 = vector.broadcast %get3A_8 : vector<1xf32> to vector<10000xf32>
    %add3A_10 = arith.addf %mul3A, %add3A_9 : vector<10000xf32>
    %logistic3A = arith.negf %add3A_10 : vector<10000xf32>
    %logistic3A_11 = math.exp %logistic3A : vector<10000xf32>
    %logistic3A_12 = arith.constant 1.000000e+00 : f32
    %logistic3A_13 = vector.broadcast %logistic3A_12 : f32 to vector<10000xf32>
    %logistic3A_14 = arith.addf %logistic3A_13, %logistic3A_11 : vector<10000xf32>
    %logistic3A_15 = arith.divf %logistic3A_13, %logistic3A_14 : vector<10000xf32>
    %swap3A = arith.constant 0 : index
    %swap3A_16 = vector.load %arg4[%swap3A] : memref<10000xf32, #tpu.memory_space<vmem>>, vector<10000xf32>
    tpu.vector_store %arg4[%swap3A], %logistic3A_15 {strides = array<i32>} : memref<10000xf32, #tpu.memory_space<vmem>>, vector<10000xf32>,
    return
  }
}

module attributes {stable_mosaic.version = 14 : i64} {
  func.func @_h_body(%arg0: memref<10000x128xf32, #tpu.memory_space<vmem>>, %arg1: memref<1x128xf32, #tpu.memory_space<vmem>>, %arg2: memref<10000xf32, #tpu.memory_space<vmem>>) attributes {dimension_semantics = [], scalar_prefetch = 0 : i64, scratch_operands = 0 : i64, tpu.core_type = #tpu.core_type<tc>} {
    %get3A = arith.constant 0 : index
    %get3A_0 = arith.constant 0 : index
    %get3A_1 = vector.load %arg1[%get3A, %get3A_0] : memref<1x128xf32, #tpu.memory_space<vmem>>, vector<1x128xf32>
    %get3A_2 = arith.constant 0 : index
    %get3A_3 = arith.constant 0 : index
    %get3A_4 = vector.load %arg0[%get3A_2, %get3A_3] : memref<10000x128xf32, #tpu.memory_space<vmem>>, vector<10000x128xf32>
    %dot_general3A = arith.constant dense<0.000000e+00> : vector<1x10000xf32>
    %dot_general3A_5 = tpu.matmul %get3A_1, %get3A_4, %dot_general3A {dimension_numbers = #tpu.dot_dimension_numbers<[1], [1], [0], [0], [0, 0, 1, 0], [], []>, transpose_lhs_hint = false} : vector<1x128xf32>, vector<10000x128xf32>, vector<1x10000xf32> -> vector<1x10000xf32>
    %squeeze3A = vector.shape_cast %dot_general3A_5 : vector<1x10000xf32> to vector<10000xf32>
    %swap3A = arith.constant 0 : index
    %swap3A_6 = vector.load %arg2[%swap3A] : memref<10000xf32, #tpu.memory_space<vmem>>, vector<10000xf32>
    tpu.vector_store %arg2[%swap3A], %squeeze3A {strides = array<i32>} : memref<10000xf32, #tpu.memory_space<vmem>>, vector<10000xf32>,
    return
  }
}

</mosaic_0001>

<sc_bundles>
// kernel: kernel.10.cloned.1.call-start
scs
__scs_entry_jumppad:
0x0: {  	(pc) =	sbr.rel $0x88, $3  }
0x1: {  	(tag) =	ssettag $0x0;
	lr =	simm.s32 $0x1  }
0x2: {  	[smem:$0x3F9D] =	sst lr;
	_ =	strace $0xD0000000  }
0x3: {  	_ = 	snop  }
0x4: {  	_ = 	snop  }
0x5: {  	_ = 	snop  }
0x6: {  	_ = 	snop  }
0x7: {  	_ = 	snop  }
__scs_overlays_trampoline_lowered:
0x8: {  	[smem:$0x3FAC] =	sst s0  }
0x9: {  	[smem:$0x3FAD] =	sst s1  }
0xa: {  	[smem:$0x3FAE] =	sst s2  }
0xb: {  	[smem:$0x3FAF] =	sst s3  }
0xc: {  	[smem:$0x3FB0] =	sst s4  }
0xd: {  	[smem:$0x3FB1] =	sst s5  }
0xe: {  	[smem:$0x3FB2] =	sst s6  }
0xf: {  	[smem:$0x3FB3] =	sst s7  }
0x10: {  	[smem:$0x3FB4] =	sst s8  }
0x11: {  	[smem:$0x3FB5] =	sst s9;
	s0 =	simm.s32 @!p0 $0x0  }
0x12: {  	s1 =	sld [smem:$0x3F9B];
	s0 =	simm.s32 @p0 $0x1  }
0x13: {  	[smem:$0x3FB6] =	sst s0;
	s0 =	simm.s32 @!p1 $0x0  }
0x14: {  	s2 =	sld [smem:$0x3F9A];
	s0 =	simm.s32 @p1 $0x1  }
0x15: {  	[smem:$0x3FB7] =	sst s0;
	s0 =	simm.s32 @!p2 $0x0  }
0x16: {  	s3 =	sld [smem:$0x3FDB];
	s0 =	simm.s32 @p2 $0x1  }
0x17: {  	s4 =	simm.s32 $0x1BF5;
	[smem:$0x3FB9] =	sst s0  }
0x18: {  	s0 =	sld [smem:$0x3F9C];
	_ =	swait.ge [sflag:s4], $0x0  }
0x19: {  	s7 =	sld [smem:$0x3F9D]  }
0x1a: {  	s8 =	sadd.s32 $0xFFFFE003, lr  }
0x1b: {  	s9 =	sadd.s32 $0xFFFFFEF7, lr;
	s5 =	simm.s32 $0xFFFFFFFF;
	p2 =	slt.u32 s8, $0xFFFFF086  }
0x1c: {  	p1 =	slt.u32 s9, $0xF7A;
	s5 =	simm.s32 @!p2 $0x0  }
0x1d: {  	s5 =	simm.s32 @p1 $0x1;
	p0 =	seq.s32 s7, s2  }
0x1e: {  	s7 =	smul.u32 @!p0 $0xF7A, s2;
	p2 =	seq.s32 @!p0 s5, $0x0  }
0x1f: {  	s9 =	smul.u32 $0xF7A, s1;
	s8 =	simm.s32 @!p0 $0x1BF5;
	p2 =	por !p2, p0  }
0x20: {  	[sflag:s8] =	ssyncset.s32 @!p0 $0xFFFFF086;
	s6 =	sadd.s32 @!p0 s3, s7;
	s7 =	simm.s32 @!p0 $0x108  }
0x21: {  	s3 =	sadd.s32 s3, s9;
	s6 =	sadd.s32 @!p0 $0x88, s6;
	s7 =	simm.s32 @p2 $0x1082  }
0x22: {  	[simem:s7], [sflag:s8] =	dma.local @!p0 [hbm:s6], $0xF7A  }
0x23: {  	s9 =	sor.u32 $0xD0000000, s2;
	s6 =	simm.s32 $0x108;
	_ =	swait.ge @!p0 [sflag:s8], $0x0  }
0x24: {  	s3 =	sadd.s32 $0x88, s3;
	s6 =	simm.s32 @!p1 $0x1082;
	[sflag:s4] =	ssyncset.s32 $0xFFFFF086  }
0x25: {  	[simem:s6], [sflag:s4] =	dma.local [hbm:s3], $0xF7A  }
0x26: {  	[smem:$0x3F9D] =	sst s1;
	(tag) =	ssettag s2;
	_ =	strace s9  }
0x27: {  	s1 =	sld [smem:$0x3FAD]  }
0x28: {  	s2 =	sld [smem:$0x3FAE]  }
0x29: {  	s4 =	sld [smem:$0x3FB0]  }
0x2a: {  	p0 =	seq.s32 s5, $0x0;
	s5 =	sld [smem:$0x3FB1]  }
0x2b: {  	s6 =	sld [smem:$0x3FB2]  }
0x2c: {  	s7 =	sld [smem:$0x3FB3]  }
0x2d: {  	s3 =	simm.s32 $0x108;
	s8 =	sld [smem:$0x3FB4]  }
0x2e: {  	s3 =	simm.s32 @!p0 $0x1082;
	s9 =	sld [smem:$0x3FB5]  }
0x2f: {  	lr =	sadd.s32 s0, s3;
	s0 =	sld [smem:$0x3FAC]  }
0x30: {  	s3 =	sld [smem:$0x3FAF]  }
0x31: {  	[smem:$0x3FB8] =	sst s10  }
0x32: {  	s10 =	sld [smem:$0x3FB6];
	_ =	sdelay $0x3  }
0x33: {  	p0 =	seq.s32 s10, $0x1;
	s10 =	sld [smem:$0x3FB8];
	_ =	sdelay $0x3  }
0x34: {  	[smem:$0x3FB8] =	sst s10  }
0x35: {  	s10 =	sld [smem:$0x3FB7];
	_ =	sdelay $0x3  }
0x36: {  	p1 =	seq.s32 s10, $0x1;
	s10 =	sld [smem:$0x3FB8];
	_ =	sdelay $0x3  }
0x37: {  	[smem:$0x3FB8] =	sst s10  }
0x38: {  	s10 =	sld [smem:$0x3FB9]  }
0x39: {  	_ = 	snop;
	(pc) =	sbr.ind lr, $3  }
0x3a: {  	_ = 	snop  }
0x3b: {  	_ = 	snop  }
0x3c: {  	p2 =	seq.s32 s10, $0x1;
	s10 =	sld [smem:$0x3FB8]  }
0x3d: {  	_ =	shalt  }
0x3e: {  	_ =	shalt  }
0x3f: {  	_ =	shalt  }
0x40: {  	_ =	shalt  }
0x41: {  	_ =	shalt  }
0x42: {  	_ =	shalt  }
0x43: {  	_ =	shalt  }
0x44: {  	_ =	shalt  }
0x45: {  	_ =	shalt  }
0x46: {  	_ =	shalt  }
0x47: {  	_ =	shalt  }
0x48: {  	_ =	shalt  }
0x49: {  	_ =	shalt  }
0x4a: {  	_ =	shalt  }
0x4b: {  	_ =	shalt  }
0x4c: {  	_ =	shalt  }
0x4d: {  	_ =	shalt  }
0x4e: {  	_ =	shalt  }
0x4f: {  	_ =	shalt  }
0x50: {  	_ =	shalt  }
0x51: {  	_ =	shalt  }
0x52: {  	_ =	shalt  }
0x53: {  	_ =	shalt  }
0x54: {  	_ =	shalt  }
0x55: {  	_ =	shalt  }
0x56: {  	_ =	shalt  }
0x57: {  	_ =	shalt  }
0x58: {  	_ =	shalt  }
0x59: {  	_ =	shalt  }
0x5a: {  	_ =	shalt  }
0x5b: {  	_ =	shalt  }
0x5c: {  	_ =	shalt  }
0x5d: {  	_ =	shalt  }
0x5e: {  	_ =	shalt  }
0x5f: {  	_ =	shalt  }
0x60: {  	_ =	shalt  }
0x61: {  	_ =	shalt  }
0x62: {  	_ =	shalt  }
0x63: {  	_ =	shalt  }
0x64: {  	_ =	shalt  }
0x65: {  	_ =	shalt  }
0x66: {  	_ =	shalt  }
0x67: {  	_ =	shalt  }
0x68: {  	_ =	shalt  }
0x69: {  	_ =	shalt  }
0x6a: {  	_ =	shalt  }
0x6b: {  	_ =	shalt  }
0x6c: {  	_ =	shalt  }
0x6d: {  	_ =	shalt  }
0x6e: {  	_ =	shalt  }
0x6f: {  	_ =	shalt  }
0x70: {  	_ =	shalt  }
0x71: {  	_ =	shalt  }
0x72: {  	_ =	shalt  }
0x73: {  	_ =	shalt  }
0x74: {  	_ =	shalt  }
0x75: {  	_ =	shalt  }
0x76: {  	_ =	shalt  }
0x77: {  	_ =	shalt  }
0x78: {  	_ =	shalt  }
0x79: {  	_ =	shalt  }
0x7a: {  	_ =	shalt  }
0x7b: {  	_ =	shalt  }
0x7c: {  	_ =	shalt  }
0x7d: {  	_ =	shalt  }
0x7e: {  	_ =	shalt  }
0x7f: {  	_ =	shalt  }
0x80: {  	_ =	shalt  }
0x81: {  	_ =	shalt  }
0x82: {  	_ =	shalt  }
0x83: {  	_ =	shalt  }
0x84: {  	_ =	shalt  }
0x85: {  	_ =	shalt  }
0x86: {  	_ =	shalt  }
0x87: {  	_ =	shalt  }
.Lfunc_end0:
.L_simem_size_0:
called_computation.1_lowered:
.L_overlay_start_0:
0x88: {  	s2 =	sld [smem:$0x3FD9]  }
0x89: {  	s3 =	sld [smem:$0x3FFE];
	_ =	sdelay $0x1  }
0x8a: {  	s1 =	srdreg.scid  }
0x8b: {  	s0 =	sand.u32 $0x1, s1  }
0x8c: {  	s17 =	sshll.u32 s0, $0xA;
	s2 =	sadd.s32 s3, s2  }
0x8d: {  	s2 =	sadd.s32 s2, s17  }
0x8e: {  	[smem:$0x3FC4] =	sst s2  }
0x8f: {  	_ = 	snop  }
0x90: {  	s2 =	sld [smem:$0x3FC8];
	(tm) =	ssettm $0x1  }
0x91: {  	s18 =	sld [smem:$0x3FFB];
	_ =	sdelay $0x3  }
0x92: {  	_ =	strace s18  }
0x93: {  	s3 =	sld [smem:$0x3FFC];
	_ =	sdelay $0x3  }
0x94: {  	_ =	strace s3  }
0x95: {  	s3 =	sld [smem:$0x3FFD];
	_ =	sdelay $0x3  }
0x96: {  	_ =	strace s3  }
0x97: {  	_ =	strace $0x8FFFFFFF  }
0x98: {  	s19 =	sld [smem:$0x3FDB];
	_ =	sdelay $0x1  }
0x99: {  	s4 =	simm.s32 $_scs_section_size  }
0x9a: {  	s5 =	simm.s32 $_size__tile_overlayer_lowered;
	s6 =	simm.s32 $_tile_overlayer_lowered  }
0x9b: {  	s22 =	simm.s32 $0x1BFF;
	s21 =	sshll.u32 s6, $0x1;
	s3 =	sadd.s32 s4, s19  }
0x9c: {  	s7 =	simm.s32 $0x0;
	s20 =	sshll.u32 s5, $0x1;
	s5 =	sadd.s32 s21, s3  }
0x9d: {  	[timem:s7], [sflag:s22] =	dma.local [hbm:s5], s20  }
0x9e: {  	_ =	swait.ge [sflag:s22], s20  }
0x9f: {  	s4 =	ssub.s32 $0x0, s20;
	[sflag:s22] =	ssyncset.done $0x0  }
0xa0: {  	[sflag:s22] =	ssyncadd.s32 s4;
	_ =	sdelay $0x1  }
0xa1: {  	s23 =	simm.s32 $0x1B8B  }
0xa2: {  	_ =	swait.ge [sflag:s23], $0x1  }
0xa3: {  	[sflag:s23] =	ssyncset.done $0x0  }
0xa4: {  	s25 =	simm.s32 $0x1B8E;
	s24 =	sld [smem:$0x3FFE];
	[sflag:s23] =	ssyncadd.s32 $0xFFFFFFFF  }
0xa5: {  	s26 =	simm.s32 $execute0_lowered;
	[smem:$0x3FD2] =	sst s25  }
0xa6: {  	s5 =	sshll.u32 s26, $0x1;
	_ =	strace $0x80000049;
	[dreg:$0x1] =	wrdreg $0xFFFFFFFF  }
0xa7: {  	s28 =	simm.s32 $_size_execute0_lowered;
	s3 =	sadd.s32 s3, s5;
	[dreg:$0x0] =	wrdreg $0x0  }
0xa8: {  	s5 =	sshll.u32 s28, $0x1;
	[dreg:$0x2] =	wrdreg s3  }
0xa9: {  	[dreg:$0x3] =	wrdreg s5  }
0xaa: {  	[dreg:$0x4] =	wrdreg $0xC0  }
0xab: {  	_ =	task [dreg:s7], $0x5FFFF  }
0xac: {  	[dreg:$0x1] =	wrdreg $0xFFFFFFFF  }
0xad: {  	[dreg:$0x0] =	wrdreg $0x60  }
0xae: {  	[dreg:$0x2] =	wrdreg s2  }
0xaf: {  	[dreg:$0x3] =	wrdreg s24  }
0xb0: {  	[dreg:$0x4] =	wrdreg $0x9  }
0xb1: {  	_ =	task.clear_ibuf [dreg:s7], $0x5FFFF;
	_ =	strace $0x90000049  }
0xb2: {  	s29 =	simm.s32 $0x9;
	_ =	strace $0x8000004B  }
0xb3: {  	_ =	swait.ge [sflag:s29], $0x1  }
0xb4: {  	[sflag:s29] =	ssyncadd.s32 $0xFFFFFFFF  }
0xb5: {  	_ =	strace $0x9000004B  }
0xb6: {  	_ =	sfence  }
0xb7: {  	s30 =	sld [smem:$0x0];
	_ =	sdelay $0x2  }
0xb8: {  	s31 =	sshll.u32 s1, $0xD;
	s1 =	sshrl.u32 s1, $0x2  }
0xb9: {  	s3 =	sand.u32 $0x4000, s31;
	s1 =	sadd.s32 s1, s30  }
0xba: {  	s0 =	sor.u32 s3, s0;
	s1 =	sshll.u32 s1, $0x11  }
0xbb: {  	s0 =	sor.u32 s1, s0  }
0xbc: {  	s0 =	sadd.s32 $0x8F2B, s0  }
0xbd: {  	[sflag:s0] =	ssyncadd.remote.s32 $0x1  }
0xbe: {  	_ =	sfence.sel $0xFFFF  }
0xbf: {  	[dreg:$0x0] =	wrdreg $0xFFFFFFFF;
	(pc) =	sbr.abs _section_cstart, $3  }
0xc0: {  	[dreg:$0x1] =	wrdreg $0xFFFFFFFF  }
0xc1: {  	_ =	task.clear_ibuf [dreg:s7], $0x2FFFF;
	_ =	strace $0x9FFFFFFF  }
0xc2: {  	(tm) =	ssettm $0x7FFFFFFF  }
0xc3: {  	_ =	shalt  }
tec
execute0_lowered:
.L_overlay_start_1:
0x0: {  	(tag) =	ssettag $0x1  }
0x1: {  	s1 =	srdreg.scid;
	s4 =	rddreg [dreg:$0x0]  }
0x2: {  	s0 =	stileid.u32;
	s5 =	rddreg [dreg:$0x1];
	s2 =	simm.s32 $0x0  }
0x3: {  	s11 =	simm.s32 $0x400;
	s12 =	simm.s32 $0x3;
	s13 =	simm.s32 $0x0  }
0x4: {  	s3 =	sand.u32 $0x1, s1;
	s29 =	sshll.u32 s0, $0x1;
	s1 =	rddreg [dreg:$0x2]  }
0x5: {  	[smem:$0x7FF] =	sst s2;
	s8 =	sshrl.u32 s0, $0x2;
	p0 =	sgt.u32 s0, $0x1  }
0x6: {  	s6 =	sor.u32 s3, s29;
	_ =	strace $0x8000004A;
	s8 =	smul.u32 $0x13C00, s8  }
0x7: {  	s3 =	ssub.s32 $0x2, s3;
	s7 =	sand.u32 $0x3, s6;
	s9 =	sshll.u32 s6, $0x7  }
0x8: {  	s10 =	smul.u32 $0x4E, s6;
	s6 =	smin.u32 s6, $0x4;
	s30 =	sshrl.u32 s3, $0x1  }
0x9: {  	s7 =	smul.u32 $0x4E2, s7;
	s9 =	sand.u32 $0x380, s9;
	s31 =	ssub.s32 s3, s30  }
.Ltmp0:
0xa: {  	s8 =	sor.u32 s8, s9;
	s6 =	sadd.s32 s6, s10;
	(pc) =	sbr.rel .LBB2_1-.Ltmp0, $4  }
0xb: {  	s9 =	simm.s32 $0x7680;
	s10 =	simm.s32 $0x80;
	s8 =	sshrl.u32 s8, $0x3  }
0xc: {  	s7 =	sadd.s32 s7, s5;
	s6 =	sshll.u32 s6, $0x5;
	s5 =	sadd.s32 s8, s5  }
0xd: {  	s3 =	sadd.s32 $0x1600, s7;
	s4 =	sadd.s32 s4, s6;
	s6 =	smax.u32 s31, $0x1  }
0xe: {  	v0 =	vimm.f32 $0.0e+00;
	s7 =	simm.s32 $0x4F00;
	s8 =	simm.s32 $0x2;
	s5 =	sadd.s32 $0x2A00, s5  }
.LBB2_8:
0xf: {  	v7 =	vld [tilespmem:s18+$0x0]  }
0x10: {  	v8 =	vld [tilespmem:s19+$0x0];
	_ =	sdelay $0x4  }
0x11: {  	[tilespmem:v2+s9+$0x0] =	vst.idx.add.f32.msk $0xffff, v5  }
0x12: {  	[tilespmem:v1+s9+$0x0] =	vst.idx.add.f32.msk $0xffff, v6  }
0x13: {  	[tilespmem:v7+s9+$0x0] =	vst.idx.add.f32.msk $0xffff, v4  }
0x14: {  	[tilespmem:v8+s9+$0x0] =	vst.idx.add.f32.msk $0xffff, v3  }
.LBB2_9:
0x15: {  	s13 =	sadd.s32 $0x1, s13  }
0x16: {  	p1 =	sne.s32 s13, s6  }
.Ltmp1:
0x17: {  	_ = 	snop;
	(pc) =	sbr.rel @!p1 .LBB2_10-.Ltmp1, $4  }
0x18: {  	[hbm4b:s5+s10] =	stream.strided.scatter [tilespmem:s9], [sflag:$0x3], $0x2780, s11, s10, $0x38;
	[tilespmem:$0x9E00] =	vst v63  }
0x19: {  	_ =	swait.ge [sflag:s12], $0x2780  }
0x1a: {  	[sflag:s12] =	ssyncset.done $0x0  }
0x1b: {  	[sflag:s12] =	ssyncadd.s32 $0xFFFFD880  }
.LBB2_1:
0x1c: {  	[tilespmem:s7], [sflag:$0x2] =	stream.linear.gather [hbm4b:s3+s2], $0x2710, $0x38;
	[tilespmem:$0x9E00] =	vst v63  }
0x1d: {  	s14 =	simm.s32 @p0 $0x0  }
0x1e: {  	[tilespmem:s14], [sflag:$0x1] =	stream.linear.gather @p0 [hbm4b:s4+s14], $0x4E00, $0x38;
	[tilespmem:$0x9E00] =	vst v63  }
0x1f: {  	s14 =	simm.s32 @!p0 $0x0  }
0x20: {  	[tilespmem:s14], [sflag:$0x1] =	stream.linear.gather @!p0 [hbm4b:s4+s14], $0x4F00, $0x38;
	[tilespmem:$0x9E00] =	vst v63  }
0x21: {  	s14 =	simm.s32 $0x76A0  }
0x22: {  	[tilespmem:s14+$0xFFFFFFE0] =	vst v0  }
0x23: {  	[tilespmem:s14+$0x10] =	vst v0  }
0x24: {  	s15 =	simm.s32 $0x0;
	[tilespmem:s14+$0x0] =	vst v0  }
.LBB2_2:
0x25: {  	s15 =	sadd.s32 $0x4, s15  }
0x26: {  	[tilespmem:s14+$0xFFFFFFF0] =	vst v0;
	s14 =	sadd.s32 $0x40, s14;
	p1 =	slt.u32 s15, $0x26C  }
.Ltmp2:
0x27: {  	[tilespmem:s14+$0xFFFFFFE0] =	vst v0;
	(pc) =	sbr.rel @p1 .LBB2_2-.Ltmp2, $3  }
0x28: {  	_ =	sdelay $0x1  }
0x29: {  	[tilespmem:s14+$0x10] =	vst v0  }
0x2a: {  	[tilespmem:s14+$0x0] =	vst v0  }
0x2b: {  	[tilespmem:s14+$0xFFFFFFF0] =	vst v0  }
0x2c: {  	[tilespmem:$0x9D80] =	vst v0  }
0x2d: {  	_ =	swait.ge [sflag:s8], $0x2710  }
0x2e: {  	[sflag:s8] =	ssyncset.done $0x0  }
0x2f: {  	s14 =	simm.s32 @p0 $0x1;
	[sflag:s8] =	ssyncadd.s32 $0xFFFFD8F0  }
0x30: {  	_ =	swait.ge @p0 [sflag:s14], $0x4E00  }
0x31: {  	[sflag:s14] =	ssyncset.done @p0 $0x0  }
0x32: {  	[sflag:s14] =	ssyncadd.s32 @p0 $0xFFFFB200;
	s14 =	simm.s32 @!p0 $0x1  }
0x33: {  	s15 =	simm.s32 $0x0;
	_ =	swait.ge @!p0 [sflag:s14], $0x4F00  }
0x34: {  	s16 =	sand.u32 $0x40, s15;
	s15 =	sand.u32 $0x7F00, s15;
	[sflag:s14] =	ssyncset.done @!p0 $0x0  }
0x35: {  	s21 =	sor.u32 s16, s15;
	[sflag:s14] =	ssyncadd.s32 @!p0 $0xFFFFB100  }
0x36: {  	p1 =	por $0x0, $0x0;
	s15 =	simm.s32 $0x1;
	v1 =	vld [tilespmem:s21+$0x30]  }
0x37: {  	s15 =	simm.s32 @!p1 $0x0;
	v2 =	vld [tilespmem:s21+$0x0]  }
0x38: {  	s15 =	sshll.u32 s15, $0x6;
	v3 =	vld [tilespmem:s21+$0x10]  }
0x39: {  	s15 =	sadd.s32 $0x0, s15;
	v4 =	vld [tilespmem:s21+$0x20]  }
0x3a: {  	s22 =	sadd.s32 $0x30, s15  }
0x3b: {  	s23 =	sadd.s32 $0x10, s15;
	s14 =	sor.u32 $0x80, s22  }
0x3c: {  	s16 =	sor.u32 $0x80, s23;
	v5 =	vld [tilespmem:s14+$0x0]  }
0x3d: {  	v6 =	vld [tilespmem:s16+$0x0]  }
0x3e: {  	v7 =	vld.idx.msk [tilespmem:v1+s7+$0x0], $0xffff  }
0x3f: {  	v8 =	vld.idx.msk [tilespmem:v2+s7+$0x0], $0xffff  }
0x40: {  	s25 =	simm.s32 $0x80;
	v3 =	vld.idx.msk [tilespmem:v3+s7+$0x0], $0xffff  }
0x41: {  	s26 =	simm.s32 $0x40;
	s24 =	sadd.s32 $0x20, s15;
	s15 =	sor.u32 $0x80, s15;
	v1 =	vld.idx.msk [tilespmem:v4+s7+$0x0], $0xffff  }
0x42: {  	s28 =	sand.u32 $0x40, s26;
	s14 =	sor.u32 $0x80, s24;
	v4 =	vld [tilespmem:s15+$0x0];
	s15 =	sand.u32 $0x7F00, s25  }
0x43: {  	v2 =	vld [tilespmem:s14+$0x0];
	s14 =	sor.u32 s28, s15  }
0x44: {  	p1 =	por !p1, !p1;
	s15 =	simm.s32 $0x1;
	v9 =	vld [tilespmem:s14+$0x0]  }
0x45: {  	s15 =	simm.s32 @!p1 $0x0;
	[tilespmem:v5+s9+$0x0] =	vst.idx.add.f32.msk $0xffff, v7  }
0x46: {  	s15 =	sshll.u32 s15, $0x6;
	v5 =	vld [tilespmem:s14+$0x30]  }
0x47: {  	v11 =	vld [tilespmem:s14+$0x10];
	s15 =	sadd.s32 $0x80, s15  }
0x48: {  	v12 =	vld [tilespmem:s14+$0x20];
	s29 =	sadd.s32 $0x30, s15  }
0x49: {  	[tilespmem:v6+s9+$0x0] =	vst.idx.add.f32.msk $0xffff, v3;
	s30 =	sadd.s32 $0x10, s15;
	s31 =	sadd.s32 $0x20, s15;
	s15 =	sor.u32 $0x80, s15  }
0x4a: {  	s14 =	sor.u32 $0x80, s29;
	v6 =	vld [tilespmem:s15+$0x0]  }
0x4b: {  	s16 =	sor.u32 $0x80, s30;
	v7 =	vld [tilespmem:s14+$0x0]  }
0x4c: {  	v3 =	vld [tilespmem:s16+$0x0]  }
0x4d: {  	[tilespmem:v4+s9+$0x0] =	vst.idx.add.f32.msk $0xffff, v8  }
0x4e: {  	v10 =	vld.idx.msk [tilespmem:v5+s7+$0x0], $0xffff  }
0x4f: {  	v4 =	vld.idx.msk [tilespmem:v9+s7+$0x0], $0xffff  }
0x50: {  	s14 =	sor.u32 $0x80, s31;
	v8 =	vld.idx.msk [tilespmem:v12+s7+$0x0], $0xffff  }
0x51: {  	v9 =	vld [tilespmem:s14+$0x0]  }
0x52: {  	s15 =	simm.s32 $0x100;
	s16 =	simm.s32 $0x80;
	s14 =	simm.s32 $0x4;
	v5 =	vld.idx.msk [tilespmem:v11+s7+$0x0], $0xffff  }
.LBB2_4:
0x53: {  	s17 =	sand.u32 $0x40, s16;
	s18 =	sand.u32 $0x7F00, s15;
	s14 =	sadd.s32 $0x4, s14;
	[tilespmem:v7+s9+$0x0] =	vst.idx.add.f32.msk $0xffff, v10  }
0x54: {  	s17 =	sor.u32 s17, s18;
	p2 =	slt.u32 s14, $0x26C;
	[tilespmem:v2+s9+$0x0] =	vst.idx.add.f32.msk $0xffff, v1  }
0x55: {  	p1 =	por !p1, !p1;
	s18 =	simm.s32 $0x1;
	v10 =	vld [tilespmem:s17+$0x30]  }
0x56: {  	s18 =	simm.s32 @!p1 $0x0;
	v1 =	vmov v8;
	v11 =	vld [tilespmem:s17+$0x0];
	v2 =	vmov v9  }
0x57: {  	s18 =	sshll.u32 s18, $0x6;
	v8 =	vld [tilespmem:s17+$0x10]  }
0x58: {  	s18 =	sadd.s32 s18, s15;
	v9 =	vld [tilespmem:s17+$0x20]  }
0x59: {  	s17 =	sadd.s32 $0x10, s18;
	s19 =	sadd.s32 $0x20, s18;
	s20 =	sadd.s32 $0x30, s18;
	[tilespmem:v3+s9+$0x0] =	vst.idx.add.f32.msk $0xffff, v5  }
0x5a: {  	s17 =	sor.u32 $0x80, s17;
	s19 =	sor.u32 $0x80, s19;
	s20 =	sor.u32 $0x80, s20;
	[tilespmem:v6+s9+$0x0] =	vst.idx.add.f32.msk $0xffff, v4  }
0x5b: {  	s18 =	sor.u32 $0x80, s18;
	v7 =	vld [tilespmem:s20+$0x0]  }
0x5c: {  	v3 =	vld [tilespmem:s17+$0x0]  }
0x5d: {  	v10 =	vld.idx.msk [tilespmem:v10+s7+$0x0], $0xffff  }
.Ltmp3:
0x5e: {  	v4 =	vld.idx.msk [tilespmem:v11+s7+$0x0], $0xffff;
	(pc) =	sbr.rel @p2 .LBB2_4-.Ltmp3, $4  }
0x5f: {  	v5 =	vld.idx.msk [tilespmem:v8+s7+$0x0], $0xffff  }
0x60: {  	v8 =	vld.idx.msk [tilespmem:v9+s7+$0x0], $0xffff  }
0x61: {  	v9 =	vld [tilespmem:s19+$0x0]  }
0x62: {  	s16 =	sadd.s32 $0x40, s16;
	s15 =	sadd.s32 $0x80, s15;
	v6 =	vld [tilespmem:s18+$0x0]  }
0x63: {  	_ =	sdelay $0x3  }
.Ltmp4:
0x64: {  	[tilespmem:v7+s9+$0x0] =	vst.idx.add.f32.msk $0xffff, v10;
	(pc) =	sbr.rel @p0 .LBB2_9-.Ltmp4, $4  }
0x65: {  	[tilespmem:v2+s9+$0x0] =	vst.idx.add.f32.msk $0xffff, v1  }
0x66: {  	[tilespmem:v3+s9+$0x0] =	vst.idx.add.f32.msk $0xffff, v5  }
0x67: {  	[tilespmem:v9+s9+$0x0] =	vst.idx.add.f32.msk $0xffff, v8  }
0x68: {  	[tilespmem:v6+s9+$0x0] =	vst.idx.add.f32.msk $0xffff, v4  }
0x69: {  	s14 =	simm.s32 $0x13800  }
0x6a: {  	s14 =	sand.u32 $0xFFFFFC00, s14  }
0x6b: {  	s14 =	sadd.s32 $0x0, s14  }
0x6c: {  	s14 =	sshra.s32 s14, $0x2  }
0x6d: {  	v3 =	vld [tilespmem:s14+$0x30]  }
0x6e: {  	v4 =	vld [tilespmem:s14+$0x0]  }
0x6f: {  	v7 =	vld [tilespmem:s14+$0x10]  }
0x70: {  	v8 =	vld [tilespmem:s14+$0x20]  }
0x71: {  	s14 =	simm.s32 $0x4E30  }
0x72: {  	s15 =	simm.s32 $0x4E00;
	s16 =	sor.u32 $0x80, s14  }
0x73: {  	s15 =	sor.u32 $0x80, s15;
	v2 =	vld [tilespmem:s16+$0x0]  }
0x74: {  	v1 =	vld [tilespmem:s15+$0x0]  }
0x75: {  	v5 =	vld.idx.msk [tilespmem:v3+s7+$0x0], $0xffff  }
0x76: {  	s17 =	simm.s32 $0x4E10;
	s19 =	simm.s32 $0x4E20;
	v6 =	vld.idx.msk [tilespmem:v4+s7+$0x0], $0xffff  }
0x77: {  	s18 =	sor.u32 $0x80, s17;
	s19 =	sor.u32 $0x80, s19;
	v4 =	vld.idx.msk [tilespmem:v7+s7+$0x0], $0xffff  }
0x78: {  	s17 =	simm.s32 $0x4E80;
	s15 =	simm.s32 $0x0;
	s16 =	simm.s32 $0x270;
	v3 =	vld.idx.msk [tilespmem:v8+s7+$0x0], $0xffff  }
.LBB2_7:
0x79: {  	s20 =	sshll.u32 s17, $0x2;
	s16 =	sadd.s32 $0x4, s16;
	v7 =	vld [tilespmem:s18+$0x0]  }
0x7a: {  	s15 =	sadd.s32 $0x100, s15;
	s18 =	sand.u32 $0xFFFFFC00, s20;
	p1 =	slt.u32 s16, $0x274;
	v8 =	vld [tilespmem:s19+$0x0]  }
0x7b: {  	s18 =	sadd.s32 s18, s15;
	[tilespmem:v2+s9+$0x0] =	vst.idx.add.f32.msk $0xffff, v5  }
0x7c: {  	s18 =	sshra.s32 s18, $0x2;
	[tilespmem:v1+s9+$0x0] =	vst.idx.add.f32.msk $0xffff, v6  }
0x7d: {  	v5 =	vld [tilespmem:s18+$0x30]  }
0x7e: {  	v6 =	vld [tilespmem:s18+$0x0]  }
0x7f: {  	v9 =	vld [tilespmem:s18+$0x10]  }
0x80: {  	v10 =	vld [tilespmem:s18+$0x20]  }
0x81: {  	s14 =	sadd.s32 $0xC0, s14;
	[tilespmem:v7+s9+$0x0] =	vst.idx.add.f32.msk $0xffff, v4  }
0x82: {  	s19 =	sadd.s32 $0xFFFFFFE0, s14;
	s20 =	sor.u32 $0x80, s14;
	s18 =	sadd.s32 $0xFFFFFFD0, s14;
	[tilespmem:v8+s9+$0x0] =	vst.idx.add.f32.msk $0xffff, v3  }
0x83: {  	s21 =	sor.u32 $0x80, s18;
	s18 =	sor.u32 $0x80, s19;
	s19 =	sadd.s32 $0xFFFFFFF0, s14;
	v2 =	vld [tilespmem:s20+$0x0]  }
.Ltmp5:
0x84: {  	s19 =	sor.u32 $0x80, s19;
	v1 =	vld [tilespmem:s21+$0x0];
	(pc) =	sbr.rel @p1 .LBB2_7-.Ltmp5, $4  }
0x85: {  	v5 =	vld.idx.msk [tilespmem:v5+s7+$0x0], $0xffff  }
0x86: {  	v6 =	vld.idx.msk [tilespmem:v6+s7+$0x0], $0xffff  }
0x87: {  	v4 =	vld.idx.msk [tilespmem:v9+s7+$0x0], $0xffff  }
0x88: {  	s17 =	sadd.s32 $0x80, s17;
	v3 =	vld.idx.msk [tilespmem:v10+s7+$0x0], $0xffff  }
.Ltmp6:
0x89: {  	_ = 	snop;
	(pc) =	sbr.rel .LBB2_8-.Ltmp6, $1  }
0x8a: {  	_ =	sdelay $0x3  }
.LBB2_10:
0x8b: {  	_ =	sfence.sel $0x180000  }
0x8c: {  	[bflag:$0x0] =	sbarrier.arrive $0xFFFF  }
0x8d: {  	p0 =	sne.s32 s0, $0x0;
	_ =	strace $0x9000004A  }
0x8e: {  	s0 =	sadd.s32 @!p0 $0x100000, s1;
	[bflag:$0x2] =	sbarrier.arrive $0xFFFF  }
0x8f: {  	[sflag:s0] =	ssyncadd.tile.s32 @!p0 $0x1;
	_ =	shalt  }
.Lfunc_end2:
_tile_overlayer_lowered:
.L_overlay_start_2:
0x90: {  	(tag) =	ssettag $0x2  }
0x91: {  	s0 =	rddreg [dreg:$0x0];
	s2 =	stileid.u32  }
0x92: {  	s1 =	rddreg [dreg:$0x1];
	p0 =	sne.s32 s2, $0x0  }
0x93: {  	s3 =	rddreg [dreg:$0x2];
	[bflag:$0x3] =	sbarrier.arrive $0xFFFF;
	s2 =	simm.s32 @!p0 $0x1C03  }
0x94: {  	[timem:s3], [sflag:s2] =	dma.local @!p0 [hbm:s0], s1  }
0x95: {  	s0 =	simm.s32 @!p0 $0x3  }
0x96: {  	_ =	swait.ge @!p0 [sflag:s0], s1  }
0x97: {  	s1 =	ssub.s32 @!p0 $0x0, s1;
	[sflag:s0] =	ssyncset.done @!p0 $0x0  }
0x98: {  	[sflag:s0] =	ssyncadd.s32 @!p0 s1  }
0x99: {  	[bflag:$0x3] =	sbarrier.arrive $0xFFFF  }
0x9a: {  	_ =	shalt  }

// kernel: kernel.7.cloned.1.call-start
scs
__scs_entry_jumppad:
0x0: {  	(pc) =	sbr.rel $0x88, $3  }
0x1: {  	(tag) =	ssettag $0x0;
	lr =	simm.s32 $0x1  }
0x2: {  	[smem:$0x3F9D] =	sst lr;
	_ =	strace $0xD0000000  }
0x3: {  	_ = 	snop  }
0x4: {  	_ = 	snop  }
0x5: {  	_ = 	snop  }
0x6: {  	_ = 	snop  }
0x7: {  	_ = 	snop  }
__scs_overlays_trampoline_lowered:
0x8: {  	[smem:$0x3FAC] =	sst s0  }
0x9: {  	[smem:$0x3FAD] =	sst s1  }
0xa: {  	[smem:$0x3FAE] =	sst s2  }
0xb: {  	[smem:$0x3FAF] =	sst s3  }
0xc: {  	[smem:$0x3FB0] =	sst s4  }
0xd: {  	[smem:$0x3FB1] =	sst s5  }
0xe: {  	[smem:$0x3FB2] =	sst s6  }
0xf: {  	[smem:$0x3FB3] =	sst s7  }
0x10: {  	[smem:$0x3FB4] =	sst s8  }
0x11: {  	[smem:$0x3FB5] =	sst s9;
	s0 =	simm.s32 @!p0 $0x0  }
0x12: {  	s1 =	sld [smem:$0x3F9B];
	s0 =	simm.s32 @p0 $0x1  }
0x13: {  	[smem:$0x3FB6] =	sst s0;
	s0 =	simm.s32 @!p1 $0x0  }
0x14: {  	s2 =	sld [smem:$0x3F9A];
	s0 =	simm.s32 @p1 $0x1  }
0x15: {  	[smem:$0x3FB7] =	sst s0;
	s0 =	simm.s32 @!p2 $0x0  }
0x16: {  	s3 =	sld [smem:$0x3FDB];
	s0 =	simm.s32 @p2 $0x1  }
0x17: {  	s4 =	simm.s32 $0x1BF5;
	[smem:$0x3FB9] =	sst s0  }
0x18: {  	s0 =	sld [smem:$0x3F9C];
	_ =	swait.ge [sflag:s4], $0x0  }
0x19: {  	s7 =	sld [smem:$0x3F9D]  }
0x1a: {  	s8 =	sadd.s32 $0xFFFFE003, lr  }
0x1b: {  	s9 =	sadd.s32 $0xFFFFFEF7, lr;
	s5 =	simm.s32 $0xFFFFFFFF;
	p2 =	slt.u32 s8, $0xFFFFF086  }
0x1c: {  	p1 =	slt.u32 s9, $0xF7A;
	s5 =	simm.s32 @!p2 $0x0  }
0x1d: {  	s5 =	simm.s32 @p1 $0x1;
	p0 =	seq.s32 s7, s2  }
0x1e: {  	s7 =	smul.u32 @!p0 $0xF7A, s2;
	p2 =	seq.s32 @!p0 s5, $0x0  }
0x1f: {  	s9 =	smul.u32 $0xF7A, s1;
	s8 =	simm.s32 @!p0 $0x1BF5;
	p2 =	por !p2, p0  }
0x20: {  	[sflag:s8] =	ssyncset.s32 @!p0 $0xFFFFF086;
	s6 =	sadd.s32 @!p0 s3, s7;
	s7 =	simm.s32 @!p0 $0x108  }
0x21: {  	s3 =	sadd.s32 s3, s9;
	s6 =	sadd.s32 @!p0 $0x88, s6;
	s7 =	simm.s32 @p2 $0x1082  }
0x22: {  	[simem:s7], [sflag:s8] =	dma.local @!p0 [hbm:s6], $0xF7A  }
0x23: {  	s9 =	sor.u32 $0xD0000000, s2;
	s6 =	simm.s32 $0x108;
	_ =	swait.ge @!p0 [sflag:s8], $0x0  }
0x24: {  	s3 =	sadd.s32 $0x88, s3;
	s6 =	simm.s32 @!p1 $0x1082;
	[sflag:s4] =	ssyncset.s32 $0xFFFFF086  }
0x25: {  	[simem:s6], [sflag:s4] =	dma.local [hbm:s3], $0xF7A  }
0x26: {  	[smem:$0x3F9D] =	sst s1;
	(tag) =	ssettag s2;
	_ =	strace s9  }
0x27: {  	s1 =	sld [smem:$0x3FAD]  }
0x28: {  	s2 =	sld [smem:$0x3FAE]  }
0x29: {  	s4 =	sld [smem:$0x3FB0]  }
0x2a: {  	p0 =	seq.s32 s5, $0x0;
	s5 =	sld [smem:$0x3FB1]  }
0x2b: {  	s6 =	sld [smem:$0x3FB2]  }
0x2c: {  	s7 =	sld [smem:$0x3FB3]  }
0x2d: {  	s3 =	simm.s32 $0x108;
	s8 =	sld [smem:$0x3FB4]  }
0x2e: {  	s3 =	simm.s32 @!p0 $0x1082;
	s9 =	sld [smem:$0x3FB5]  }
0x2f: {  	lr =	sadd.s32 s0, s3;
	s0 =	sld [smem:$0x3FAC]  }
0x30: {  	s3 =	sld [smem:$0x3FAF]  }
0x31: {  	[smem:$0x3FB8] =	sst s10  }
0x32: {  	s10 =	sld [smem:$0x3FB6];
	_ =	sdelay $0x3  }
0x33: {  	p0 =	seq.s32 s10, $0x1;
	s10 =	sld [smem:$0x3FB8];
	_ =	sdelay $0x3  }
0x34: {  	[smem:$0x3FB8] =	sst s10  }
0x35: {  	s10 =	sld [smem:$0x3FB7];
	_ =	sdelay $0x3  }
0x36: {  	p1 =	seq.s32 s10, $0x1;
	s10 =	sld [smem:$0x3FB8];
	_ =	sdelay $0x3  }
0x37: {  	[smem:$0x3FB8] =	sst s10  }
0x38: {  	s10 =	sld [smem:$0x3FB9]  }
0x39: {  	_ = 	snop;
	(pc) =	sbr.ind lr, $3  }
0x3a: {  	_ = 	snop  }
0x3b: {  	_ = 	snop  }
0x3c: {  	p2 =	seq.s32 s10, $0x1;
	s10 =	sld [smem:$0x3FB8]  }
0x3d: {  	_ =	shalt  }
0x3e: {  	_ =	shalt  }
0x3f: {  	_ =	shalt  }
0x40: {  	_ =	shalt  }
0x41: {  	_ =	shalt  }
0x42: {  	_ =	shalt  }
0x43: {  	_ =	shalt  }
0x44: {  	_ =	shalt  }
0x45: {  	_ =	shalt  }
0x46: {  	_ =	shalt  }
0x47: {  	_ =	shalt  }
0x48: {  	_ =	shalt  }
0x49: {  	_ =	shalt  }
0x4a: {  	_ =	shalt  }
0x4b: {  	_ =	shalt  }
0x4c: {  	_ =	shalt  }
0x4d: {  	_ =	shalt  }
0x4e: {  	_ =	shalt  }
0x4f: {  	_ =	shalt  }
0x50: {  	_ =	shalt  }
0x51: {  	_ =	shalt  }
0x52: {  	_ =	shalt  }
0x53: {  	_ =	shalt  }
0x54: {  	_ =	shalt  }
0x55: {  	_ =	shalt  }
0x56: {  	_ =	shalt  }
0x57: {  	_ =	shalt  }
0x58: {  	_ =	shalt  }
0x59: {  	_ =	shalt  }
0x5a: {  	_ =	shalt  }
0x5b: {  	_ =	shalt  }
0x5c: {  	_ =	shalt  }
0x5d: {  	_ =	shalt  }
0x5e: {  	_ =	shalt  }
0x5f: {  	_ =	shalt  }
0x60: {  	_ =	shalt  }
0x61: {  	_ =	shalt  }
0x62: {  	_ =	shalt  }
0x63: {  	_ =	shalt  }
0x64: {  	_ =	shalt  }
0x65: {  	_ =	shalt  }
0x66: {  	_ =	shalt  }
0x67: {  	_ =	shalt  }
0x68: {  	_ =	shalt  }
0x69: {  	_ =	shalt  }
0x6a: {  	_ =	shalt  }
0x6b: {  	_ =	shalt  }
0x6c: {  	_ =	shalt  }
0x6d: {  	_ =	shalt  }
0x6e: {  	_ =	shalt  }
0x6f: {  	_ =	shalt  }
0x70: {  	_ =	shalt  }
0x71: {  	_ =	shalt  }
0x72: {  	_ =	shalt  }
0x73: {  	_ =	shalt  }
0x74: {  	_ =	shalt  }
0x75: {  	_ =	shalt  }
0x76: {  	_ =	shalt  }
0x77: {  	_ =	shalt  }
0x78: {  	_ =	shalt  }
0x79: {  	_ =	shalt  }
0x7a: {  	_ =	shalt  }
0x7b: {  	_ =	shalt  }
0x7c: {  	_ =	shalt  }
0x7d: {  	_ =	shalt  }
0x7e: {  	_ =	shalt  }
0x7f: {  	_ =	shalt  }
0x80: {  	_ =	shalt  }
0x81: {  	_ =	shalt  }
0x82: {  	_ =	shalt  }
0x83: {  	_ =	shalt  }
0x84: {  	_ =	shalt  }
0x85: {  	_ =	shalt  }
0x86: {  	_ =	shalt  }
0x87: {  	_ =	shalt  }
.Lfunc_end0:
.L_simem_size_0:
called_computation_lowered:
.L_overlay_start_0:
0x88: {  	s2 =	sld [smem:$0x3FD9]  }
0x89: {  	s3 =	sld [smem:$0x3FFE];
	_ =	sdelay $0x1  }
0x8a: {  	s1 =	srdreg.scid  }
0x8b: {  	s0 =	sand.u32 $0x1, s1  }
0x8c: {  	s17 =	sshll.u32 s0, $0xA;
	s2 =	sadd.s32 s3, s2  }
0x8d: {  	s2 =	sadd.s32 s2, s17  }
0x8e: {  	[smem:$0x3FC4] =	sst s2  }
0x8f: {  	_ = 	snop  }
0x90: {  	s2 =	sld [smem:$0x3FC8];
	(tm) =	ssettm $0x1  }
0x91: {  	s18 =	sld [smem:$0x3FFB];
	_ =	sdelay $0x3  }
0x92: {  	_ =	strace s18  }
0x93: {  	s3 =	sld [smem:$0x3FFC];
	_ =	sdelay $0x3  }
0x94: {  	_ =	strace s3  }
0x95: {  	s3 =	sld [smem:$0x3FFD];
	_ =	sdelay $0x3  }
0x96: {  	_ =	strace s3  }
0x97: {  	_ =	strace $0x8FFFFFFF  }
0x98: {  	s19 =	sld [smem:$0x3FDB];
	_ =	sdelay $0x1  }
0x99: {  	s4 =	simm.s32 $_scs_section_size  }
0x9a: {  	s5 =	simm.s32 $_size__tile_overlayer_lowered;
	s6 =	simm.s32 $_tile_overlayer_lowered  }
0x9b: {  	s22 =	simm.s32 $0x1BFF;
	s21 =	sshll.u32 s6, $0x1;
	s3 =	sadd.s32 s4, s19  }
0x9c: {  	s7 =	simm.s32 $0x0;
	s20 =	sshll.u32 s5, $0x1;
	s5 =	sadd.s32 s21, s3  }
0x9d: {  	[timem:s7], [sflag:s22] =	dma.local [hbm:s5], s20  }
0x9e: {  	_ =	swait.ge [sflag:s22], s20  }
0x9f: {  	s4 =	ssub.s32 $0x0, s20;
	[sflag:s22] =	ssyncset.done $0x0  }
0xa0: {  	[sflag:s22] =	ssyncadd.s32 s4;
	_ =	sdelay $0x1  }
0xa1: {  	s23 =	simm.s32 $0x1B8B  }
0xa2: {  	_ =	swait.ge [sflag:s23], $0x1  }
0xa3: {  	[sflag:s23] =	ssyncset.done $0x0  }
0xa4: {  	s25 =	simm.s32 $0x1B8E;
	s24 =	sld [smem:$0x3FFE];
	[sflag:s23] =	ssyncadd.s32 $0xFFFFFFFF  }
0xa5: {  	s26 =	simm.s32 $execute0_lowered;
	[smem:$0x3FD2] =	sst s25  }
0xa6: {  	s5 =	sshll.u32 s26, $0x1;
	_ =	strace $0x80000046;
	[dreg:$0x1] =	wrdreg $0xFFFFFFFF  }
0xa7: {  	s28 =	simm.s32 $_size_execute0_lowered;
	s3 =	sadd.s32 s3, s5;
	[dreg:$0x0] =	wrdreg $0x0  }
0xa8: {  	s5 =	sshll.u32 s28, $0x1;
	[dreg:$0x2] =	wrdreg s3  }
0xa9: {  	[dreg:$0x3] =	wrdreg s5  }
0xaa: {  	[dreg:$0x4] =	wrdreg $0xC0  }
0xab: {  	_ =	task [dreg:s7], $0x5FFFF  }
0xac: {  	[dreg:$0x1] =	wrdreg $0xFFFFFFFF  }
0xad: {  	[dreg:$0x0] =	wrdreg $0x60  }
0xae: {  	[dreg:$0x2] =	wrdreg s2  }
0xaf: {  	[dreg:$0x3] =	wrdreg s24  }
0xb0: {  	[dreg:$0x4] =	wrdreg $0x9  }
0xb1: {  	_ =	task.clear_ibuf [dreg:s7], $0x5FFFF;
	_ =	strace $0x90000046  }
0xb2: {  	s29 =	simm.s32 $0x9;
	_ =	strace $0x80000048  }
0xb3: {  	_ =	swait.ge [sflag:s29], $0x1  }
0xb4: {  	[sflag:s29] =	ssyncadd.s32 $0xFFFFFFFF  }
0xb5: {  	_ =	strace $0x90000048  }
0xb6: {  	_ =	sfence  }
0xb7: {  	s30 =	sld [smem:$0x0];
	_ =	sdelay $0x2  }
0xb8: {  	s31 =	sshll.u32 s1, $0xD;
	s1 =	sshrl.u32 s1, $0x2  }
0xb9: {  	s3 =	sand.u32 $0x4000, s31;
	s1 =	sadd.s32 s1, s30  }
0xba: {  	s0 =	sor.u32 s3, s0;
	s1 =	sshll.u32 s1, $0x11  }
0xbb: {  	s0 =	sor.u32 s1, s0  }
0xbc: {  	s0 =	sadd.s32 $0x8F2B, s0  }
0xbd: {  	[sflag:s0] =	ssyncadd.remote.s32 $0x1  }
0xbe: {  	_ =	sfence.sel $0xFFFF  }
0xbf: {  	[dreg:$0x0] =	wrdreg $0xFFFFFFFF;
	(pc) =	sbr.abs _section_cstart, $3  }
0xc0: {  	[dreg:$0x1] =	wrdreg $0xFFFFFFFF  }
0xc1: {  	_ =	task.clear_ibuf [dreg:s7], $0x2FFFF;
	_ =	strace $0x9FFFFFFF  }
0xc2: {  	(tm) =	ssettm $0x7FFFFFFF  }
0xc3: {  	_ =	shalt  }
tec
execute0_lowered:
.L_overlay_start_1:
0x0: {  	(tag) =	ssettag $0x1  }
0x1: {  	s3 =	rddreg [dreg:$0x0];
	s1 =	srdreg.scid  }
0x2: {  	s0 =	stileid.u32;
	s4 =	rddreg [dreg:$0x1]  }
0x3: {  	s5 =	sand.u32 $0x1, s1;
	s2 =	sshll.u32 s0, $0x1;
	s1 =	rddreg [dreg:$0x2]  }
0x4: {  	s7 =	sshrl.u32 s0, $0x2;
	p0 =	sgt.u32 s0, $0x1;
	s6 =	sor.u32 s5, s2  }
0x5: {  	s2 =	simm.s32 $0x0;
	s7 =	smul.u32 $0x13C00, s7;
	s5 =	ssub.s32 $0x2, s5  }
0x6: {  	s8 =	sshll.u32 s6, $0x7;
	[smem:$0x7FF] =	sst s2;
	s9 =	smul.u32 $0x4E, s6  }
0x7: {  	s6 =	smin.u32 s6, $0x4;
	s31 =	sshrl.u32 s5, $0x1;
	s8 =	sand.u32 $0x380, s8  }
.Ltmp0:
0x8: {  	_ =	strace $0x80000047;
	s5 =	ssub.s32 s5, s31;
	(pc) =	sbr.rel .LBB2_1-.Ltmp0, $4  }
0x9: {  	s7 =	sor.u32 s7, s8;
	s6 =	sadd.s32 s6, s9;
	s5 =	smax.u32 s5, $0x1  }
0xa: {  	s8 =	simm.s32 $0x400;
	s7 =	sshrl.u32 s7, $0x3;
	s6 =	sshll.u32 s6, $0x5  }
0xb: {  	s9 =	simm.s32 $0x2;
	s4 =	sadd.s32 s7, s4;
	s3 =	sadd.s32 s3, s6  }
0xc: {  	v0 =	vimm.f32 $0.0e+00;
	v1 =	vimm.f32 $1.000000000e+00;
	s6 =	simm.s32 $0x4F00;
	s7 =	simm.s32 $0x80;
	s4 =	sadd.s32 $0x1600, s4  }
.LBB2_8:
0xd: {  	_ =	sdelay $0x3  }
0xe: {  	[tilespmem:v2+s6+$0x0] =	vst.idx.add.f32.msk $0xffff, v1  }
0xf: {  	[tilespmem:v3+s6+$0x0] =	vst.idx.add.f32.msk $0xffff, v1  }
0x10: {  	[tilespmem:v4+s6+$0x0] =	vst.idx.add.f32.msk $0xffff, v1  }
0x11: {  	[tilespmem:v5+s6+$0x0] =	vst.idx.add.f32.msk $0xffff, v1  }
.LBB2_9:
0x12: {  	s2 =	sadd.s32 $0x1, s2  }
0x13: {  	p1 =	sne.s32 s2, s5  }
.Ltmp1:
0x14: {  	_ = 	snop;
	(pc) =	sbr.rel @!p1 .LBB2_10-.Ltmp1, $4  }
0x15: {  	[hbm4b:s4+s7] =	stream.strided.scatter [tilespmem:s6], [sflag:$0x2], $0x2780, s8, s7, $0x38;
	[tilespmem:$0x7680] =	vst v63  }
0x16: {  	_ =	swait.ge [sflag:s9], $0x2780  }
0x17: {  	[sflag:s9] =	ssyncset.done $0x0  }
0x18: {  	[sflag:s9] =	ssyncadd.s32 $0xFFFFD880  }
.LBB2_1:
0x19: {  	s10 =	simm.s32 @p0 $0x0  }
0x1a: {  	[tilespmem:s10], [sflag:$0x1] =	stream.linear.gather @p0 [hbm4b:s3+s10], $0x4E00, $0x38;
	[tilespmem:$0x7680] =	vst v63  }
0x1b: {  	s10 =	simm.s32 @!p0 $0x0  }
0x1c: {  	[tilespmem:s10], [sflag:$0x1] =	stream.linear.gather @!p0 [hbm4b:s3+s10], $0x4F00, $0x38;
	[tilespmem:$0x7680] =	vst v63  }
0x1d: {  	s10 =	simm.s32 $0x4F20  }
0x1e: {  	[tilespmem:s10+$0xFFFFFFE0] =	vst v0  }
0x1f: {  	[tilespmem:s10+$0x10] =	vst v0  }
0x20: {  	s11 =	simm.s32 $0x0;
	[tilespmem:s10+$0x0] =	vst v0  }
.LBB2_2:
0x21: {  	s11 =	sadd.s32 $0x4, s11  }
0x22: {  	[tilespmem:s10+$0xFFFFFFF0] =	vst v0;
	s10 =	sadd.s32 $0x40, s10;
	p1 =	slt.u32 s11, $0x26C  }
.Ltmp2:
0x23: {  	[tilespmem:s10+$0xFFFFFFE0] =	vst v0;
	(pc) =	sbr.rel @p1 .LBB2_2-.Ltmp2, $3  }
0x24: {  	_ =	sdelay $0x1  }
0x25: {  	[tilespmem:s10+$0x10] =	vst v0  }
0x26: {  	[tilespmem:s10+$0x0] =	vst v0  }
0x27: {  	[tilespmem:s10+$0xFFFFFFF0] =	vst v0  }
0x28: {  	s10 =	simm.s32 @p0 $0x1;
	[tilespmem:$0x7600] =	vst v0  }
0x29: {  	_ =	swait.ge @p0 [sflag:s10], $0x4E00  }
0x2a: {  	p1 =	por $0x0, $0x0;
	s11 =	simm.s32 $0x1;
	[sflag:s10] =	ssyncset.done @p0 $0x0  }
0x2b: {  	s11 =	simm.s32 @!p1 $0x0;
	[sflag:s10] =	ssyncadd.s32 @p0 $0xFFFFB200;
	s10 =	simm.s32 @!p0 $0x1  }
0x2c: {  	s11 =	sshll.u32 s11, $0x6;
	_ =	swait.ge @!p0 [sflag:s10], $0x4F00  }
0x2d: {  	s11 =	sadd.s32 $0x0, s11;
	[sflag:s10] =	ssyncset.done @!p0 $0x0  }
0x2e: {  	s24 =	sor.u32 $0xB0, s11;
	[sflag:s10] =	ssyncadd.s32 @!p0 $0xFFFFB100  }
0x2f: {  	v3 =	vld [tilespmem:s24+$0x0];
	_ =	sdelay $0x1  }
0x30: {  	s12 =	simm.s32 $0x1;
	p1 =	por !p1, !p1  }
0x31: {  	s12 =	simm.s32 @!p1 $0x0;
	s25 =	sor.u32 $0x80, s11  }
0x32: {  	s28 =	sshll.u32 s12, $0x6;
	s13 =	sor.u32 $0x90, s11;
	v8 =	vld [tilespmem:s25+$0x0]  }
0x33: {  	s26 =	sor.u32 $0xA0, s11;
	s29 =	sadd.s32 $0x80, s28;
	v2 =	vld [tilespmem:s13+$0x0]  }
0x34: {  	s30 =	sor.u32 $0x80, s29;
	v4 =	vld [tilespmem:s26+$0x0]  }
0x35: {  	v6 =	vld [tilespmem:s30+$0x0]  }
0x36: {  	s11 =	sor.u32 $0xB0, s29;
	[tilespmem:v3+s6+$0x0] =	vst.idx.add.f32.msk $0xffff, v1  }
0x37: {  	s31 =	sor.u32 $0x90, s29;
	v3 =	vld [tilespmem:s11+$0x0]  }
0x38: {  	s10 =	sor.u32 $0xA0, s29;
	v7 =	vld [tilespmem:s31+$0x0]  }
0x39: {  	v5 =	vld [tilespmem:s10+$0x0]  }
0x3a: {  	p1 =	por !p1, !p1;
	s10 =	simm.s32 $0x4;
	s11 =	simm.s32 $0x80;
	[tilespmem:v8+s6+$0x0] =	vst.idx.add.f32.msk $0xffff, v1  }
.LBB2_4:
0x3b: {  	s12 =	simm.s32 $0x1  }
0x3c: {  	s10 =	sadd.s32 $0x4, s10;
	[tilespmem:v2+s6+$0x0] =	vst.idx.add.f32.msk $0xffff, v1;
	s12 =	simm.s32 @!p1 $0x0  }
0x3d: {  	s11 =	sadd.s32 $0x80, s11;
	p2 =	slt.u32 s10, $0x26C;
	v8 =	vmov v6;
	s12 =	sshll.u32 s12, $0x6;
	[tilespmem:v4+s6+$0x0] =	vst.idx.add.f32.msk $0xffff, v1  }
0x3e: {  	v2 =	vmov v7;
	s12 =	sadd.s32 s12, s11  }
0x3f: {  	v4 =	vmov v5;
	s13 =	sor.u32 $0x80, s12;
	s14 =	sor.u32 $0x90, s12;
	s15 =	sor.u32 $0xB0, s12;
	[tilespmem:v3+s6+$0x0] =	vst.idx.add.f32.msk $0xffff, v1  }
.Ltmp3:
0x40: {  	s12 =	sor.u32 $0xA0, s12;
	v3 =	vld [tilespmem:s15+$0x0];
	(pc) =	sbr.rel @p2 .LBB2_4-.Ltmp3, $4  }
0x41: {  	v6 =	vld [tilespmem:s13+$0x0]  }
0x42: {  	v7 =	vld [tilespmem:s14+$0x0]  }
0x43: {  	v5 =	vld [tilespmem:s12+$0x0]  }
0x44: {  	p1 =	por !p1, !p1;
	[tilespmem:v8+s6+$0x0] =	vst.idx.add.f32.msk $0xffff, v1  }
0x45: {  	_ =	sdelay $0x3  }
0x46: {  	[tilespmem:v2+s6+$0x0] =	vst.idx.add.f32.msk $0xffff, v1  }
.Ltmp4:
0x47: {  	[tilespmem:v4+s6+$0x0] =	vst.idx.add.f32.msk $0xffff, v1;
	(pc) =	sbr.rel @p0 .LBB2_9-.Ltmp4, $4  }
0x48: {  	[tilespmem:v3+s6+$0x0] =	vst.idx.add.f32.msk $0xffff, v1  }
0x49: {  	[tilespmem:v6+s6+$0x0] =	vst.idx.add.f32.msk $0xffff, v1  }
0x4a: {  	[tilespmem:v7+s6+$0x0] =	vst.idx.add.f32.msk $0xffff, v1  }
0x4b: {  	[tilespmem:v5+s6+$0x0] =	vst.idx.add.f32.msk $0xffff, v1  }
0x4c: {  	s10 =	simm.s32 $0x4E00  }
0x4d: {  	s11 =	sor.u32 $0xB0, s10  }
0x4e: {  	v2 =	vld [tilespmem:s11+$0x0];
	_ =	sdelay $0x1  }
0x4f: {  	s31 =	sor.u32 $0xA0, s10  }
0x50: {  	v5 =	vld [tilespmem:s31+$0x0]  }
0x51: {  	s12 =	sor.u32 $0x80, s10  }
0x52: {  	s30 =	sor.u32 $0x90, s10;
	v3 =	vld [tilespmem:s12+$0x0]  }
0x53: {  	v4 =	vld [tilespmem:s30+$0x0]  }
0x54: {  	s10 =	simm.s32 $0x270;
	s11 =	simm.s32 $0x4EC0  }
.LBB2_7:
0x55: {  	s12 =	sor.u32 $0x90, s11;
	s13 =	sor.u32 $0xB0, s11;
	s10 =	sadd.s32 $0x4, s10;
	[tilespmem:v2+s6+$0x0] =	vst.idx.add.f32.msk $0xffff, v1;
	v6 =	vmov v5  }
0x56: {  	s14 =	sor.u32 $0x80, s11;
	s15 =	sor.u32 $0xA0, s11;
	v2 =	vld [tilespmem:s13+$0x0];
	p1 =	slt.u32 s10, $0x274  }
0x57: {  	v7 =	vld [tilespmem:s14+$0x0]  }
0x58: {  	v8 =	vld [tilespmem:s12+$0x0]  }
.Ltmp5:
0x59: {  	v5 =	vld [tilespmem:s15+$0x0];
	(pc) =	sbr.rel @p1 .LBB2_7-.Ltmp5, $4  }
0x5a: {  	[tilespmem:v3+s6+$0x0] =	vst.idx.add.f32.msk $0xffff, v1  }
0x5b: {  	[tilespmem:v4+s6+$0x0] =	vst.idx.add.f32.msk $0xffff, v1  }
0x5c: {  	[tilespmem:v6+s6+$0x0] =	vst.idx.add.f32.msk $0xffff, v1;
	v3 =	vmov v7  }
0x5d: {  	s11 =	sadd.s32 $0xC0, s11;
	v4 =	vmov v8  }
.Ltmp6:
0x5e: {  	_ = 	snop;
	(pc) =	sbr.rel .LBB2_8-.Ltmp6, $1  }
0x5f: {  	_ =	sdelay $0x3  }
.LBB2_10:
0x60: {  	_ =	sfence.sel $0x180000  }
0x61: {  	[bflag:$0x0] =	sbarrier.arrive $0xFFFF  }
0x62: {  	p0 =	sne.s32 s0, $0x0;
	_ =	strace $0x90000047  }
0x63: {  	s0 =	sadd.s32 @!p0 $0x100000, s1;
	[bflag:$0x2] =	sbarrier.arrive $0xFFFF  }
0x64: {  	[sflag:s0] =	ssyncadd.tile.s32 @!p0 $0x1;
	_ =	shalt  }
.Lfunc_end2:
_tile_overlayer_lowered:
.L_overlay_start_2:
0x65: {  	(tag) =	ssettag $0x2  }
0x66: {  	s0 =	rddreg [dreg:$0x0];
	s2 =	stileid.u32  }
0x67: {  	s1 =	rddreg [dreg:$0x1];
	p0 =	sne.s32 s2, $0x0  }
0x68: {  	s3 =	rddreg [dreg:$0x2];
	[bflag:$0x3] =	sbarrier.arrive $0xFFFF;
	s2 =	simm.s32 @!p0 $0x1C02  }
0x69: {  	[timem:s3], [sflag:s2] =	dma.local @!p0 [hbm:s0], s1  }
0x6a: {  	s0 =	simm.s32 @!p0 $0x2  }
0x6b: {  	_ =	swait.ge @!p0 [sflag:s0], s1  }
0x6c: {  	s1 =	ssub.s32 @!p0 $0x0, s1;
	[sflag:s0] =	ssyncset.done @!p0 $0x0  }
0x6d: {  	[sflag:s0] =	ssyncadd.s32 @!p0 s1  }
0x6e: {  	[bflag:$0x3] =	sbarrier.arrive $0xFFFF  }
0x6f: {  	_ =	shalt  }

</sc_bundles>
